<compile_context>
chip_gen: v7x
topology: tpu7x:2x2x1
jax: 0.10.2.dev20260603
libtpu: 0.0.44.dev20260713+nightly
codegen_flags: <defaults>
</compile_context>

<pallas_src>
import functools

import jax
import jax.numpy as jnp
import numpy as np
from jax import lax
from jax.experimental import pallas as pl
from jax.experimental.pallas import tpu as pltpu
from jax.experimental.pallas import tpu_sc as plsc

_FREQ_MASK = 10
_TIME_MASK = 20
_FREQ_MASK_RATE = 0.2
_TIME_MASK_RATE = 0.2

_NUM_CORES = 2
_NUM_SUBCORES = 16
_LANES = 16
_NW = _NUM_CORES * _NUM_SUBCORES
_NSLOTS = 2


def _tf2x32(k1, k2, x1, x2):
    x = [np.uint32(x1), np.uint32(x2)]
    ks = [np.uint32(k1), np.uint32(k2),
          np.uint32(np.uint32(k1) ^ np.uint32(k2) ^ np.uint32(0x1BD11BDA))]
    rot = [(13, 15, 26, 6), (17, 29, 16, 24)]

    def _rl(v, d):
        return np.uint32((v << np.uint32(d)) | (v >> np.uint32(32 - d)))

    def _rounds(x, rs):
        for r in rs:
            x[0] = np.uint32(x[0] + x[1])
            x[1] = np.uint32(x[0] ^ _rl(x[1], r))
        return x

    with np.errstate(over="ignore"):
        x[0] = np.uint32(x[0] + ks[0])
        x[1] = np.uint32(x[1] + ks[1])
        for i in range(5):
            x = _rounds(x, rot[i % 2])
            x[0] = np.uint32(x[0] + ks[(i + 1) % 3])
            x[1] = np.uint32(x[1] + ks[(i + 2) % 3] + np.uint32(i + 1))
    return x[0], x[1]


def _np_split2(key):
    return (_tf2x32(key[0], key[1], 0, 0), _tf2x32(key[0], key[1], 0, 1))


def _np_randint(key, minval, maxval):
    k1, k2 = _np_split2(key)
    hb1, hb2 = _tf2x32(k1[0], k1[1], 0, 0)
    lb1, lb2 = _tf2x32(k2[0], k2[1], 0, 0)
    hi, lo = np.uint64(hb1 ^ hb2), np.uint64(lb1 ^ lb2)
    span = np.uint64(np.uint32(maxval - minval))
    mult = (np.uint64(65536) % span) ** 2 % span
    val = ((hi % span) * mult % span + lo % span) % span
    return int(minval + int(val))


@functools.lru_cache(maxsize=None)
def _mask_rows(t: int, f: int) -> tuple[int, ...]:
    f_mask = min(min(_FREQ_MASK, int(np.floor(float(f) * _FREQ_MASK_RATE))), f)
    t_mask = min(min(_TIME_MASK, int(np.floor(float(t) * _TIME_MASK_RATE))), t)
    key = (np.uint32(0), np.uint32(42))
    k1, k2 = _np_split2(key)
    f0 = _np_randint(k1, 0, max(1, f - f_mask))
    t0 = _np_randint(k2, 0, max(1, t - t_mask))
    rows = set(range(f0, f0 + f_mask)) | set(range(t0, t0 + t_mask))
    return tuple(sorted(r for r in rows if r < t))


@functools.lru_cache(maxsize=None)
def _build_sc_kernel(t: int, f: int, masked: tuple[int, ...]):
    assert t % 8 == 0, "row count must be a multiple of 8"
    groups = t // 8
    gbase, grem = divmod(groups, _NW)
    if grem:
        chunk, big = 8 * (gbase + 1), grem
    else:
        chunk, big = 8 * gbase, _NW
    big_rows = chunk * big

    def owner(r):
        if r < big_rows:
            return r // chunk
        return big + (r - big_rows) // (chunk - 8)

    fix_workers = sorted({owner(r) for r in masked})
    mesh = plsc.VectorSubcoreMesh(
        core_axis_name="c", subcore_axis_name="s",
        num_cores=_NUM_CORES, num_subcores=_NUM_SUBCORES)

    @functools.partial(
        pl.kernel,
        mesh=mesh,
        out_type=jax.ShapeDtypeStruct((t, f), jnp.float32),
        scratch_types=(
            [pltpu.VMEM((_NSLOTS, (chunk // _NSLOTS + 7) // 8 * 8, f),
                        jnp.float32),
             pltpu.VMEM((_LANES,), jnp.float32)]
            + [pltpu.SemaphoreType.DMA] * (2 * _NSLOTS)
        ),
    )
    def sc_kernel(x_hbm, tv_hbm, out_hbm, buf_v, tv_v, *sems):
        sis, sos = sems[:_NSLOTS], sems[_NSLOTS:]
        wid = lax.axis_index("s") * _NUM_CORES + lax.axis_index("c")

        def copy_and_fix(start, nrows, branch_workers):
            base = (nrows // _NSLOTS + 7) // 8 * 8
            halves = []
            off = 0
            for k in range(_NSLOTS):
                hn = min(base, nrows - off)
                if hn <= 0:
                    break
                halves.append((off, hn, sis[k], sos[k]))
                off += hn
            acs_in = [
                pltpu.async_copy(x_hbm.at[pl.ds(start + off, hn)],
                                 buf_v.at[k, pl.ds(0, hn)], si)
                for k, (off, hn, si, _) in enumerate(halves)
            ]
            acs_out = []
            for k, (off, hn, _, so) in enumerate(halves):
                acs_in[k].wait()
                for w in branch_workers:
                    ws = (chunk * w if w < big
                          else big_rows + (chunk - 8) * (w - big)) + off
                    rows_w = sorted(r - ws for r in masked
                                    if ws <= r < ws + hn)
                    if not rows_w:
                        continue
                    runs = []
                    for lr in rows_w:
                        if runs and lr == runs[-1][1]:
                            runs[-1][1] += 1
                        else:
                            runs.append([lr, lr + 1])

                    @pl.when(wid == w)
                    def _(runs=runs, k=k):
                        pltpu.sync_copy(tv_hbm, tv_v)
                        scale = tv_v[...]

                        def fix_row(r, carry):
                            for j in range(f // _LANES):
                                sl = pl.ds(j * _LANES, _LANES)
                                buf_v[k, r, sl] = buf_v[k, r, sl] * scale
                            return carry

                        for lo, hi in runs:
                            lax.fori_loop(lo, hi, fix_row, 0)
                acs_out.append(pltpu.async_copy(
                    buf_v.at[k, pl.ds(0, hn)],
                    out_hbm.at[pl.ds(start + off, hn)], so))
            for ac in acs_out:
                ac.wait()

        @pl.when(wid < big)
        def _():
            copy_and_fix(pl.multiple_of(chunk * wid, 8), chunk,
                         [w for w in fix_workers if w < big])

        if big < _NW:
            @pl.when(wid >= big)
            def _():
                start = big_rows + (chunk - 8) * (wid - big)
                copy_and_fix(pl.multiple_of(start, 8), chunk - 8,
                             [w for w in fix_workers if w >= big])

    return sc_kernel


def kernel(x, training=True):
    t, f = x.shape
    masked = _mask_rows(t, f)
    sc_kernel = _build_sc_kernel(t, f, masked)
    keep = 1.0 - jnp.asarray(training, jnp.float32)
    tv = jnp.broadcast_to(keep, (_LANES,))
    return sc_kernel(x, tv)

# --- scband reference (transcript-rebuilt; emitter-appended) ---
"""Pipeline reference for scband-spec-augment-21002390077624 (READ-ONLY COPY).

The authoritative reference and input builder live on the scoring server;
editing this copy changes nothing except your own understanding.
"""

import jax, jax.numpy as jnp
import numpy as np

FREQ_MASK = 10
TIME_MASK = 20
FREQ_MASK_RATE = 0.2
TIME_MASK_RATE = 0.2


def setup_inputs(seed: int = 0) -> dict:
    key = jax.random.key(seed)
    x = jax.random.normal(key, (3000, 512), dtype=jnp.float32)
    return {"x": x, "training": True}


def reference(x, training=True):
    # Faithful translation of the TF SpecAugment.call.
    # NOTE: the original TF code builds rank-2 indices [k,1] and scatters on axis 0
    # for BOTH the freq mask and the time mask (with zero updates). We reproduce
    # exactly that: both masks zero out contiguous row ranges along axis 0.
    f = x.shape[-1]
    t = x.shape[-2]
    max_freq_mask = int(np.floor(float(f) * FREQ_MASK_RATE))
    max_time_mask = int(np.floor(float(t) * TIME_MASK_RATE))

    key = jax.random.key(42)
    k1, k2 = jax.random.split(key)

    rows = jnp.arange(t)
    x_orig = x

    # freq mask (scattered on axis 0, as in the original code)
    f_mask = min(FREQ_MASK, max_freq_mask)
    f_mask = min(f_mask, f)
    f0 = jax.random.randint(k1, (), 0, max(1, f - f_mask))
    freq_sel = (rows >= f0) & (rows < f0 + f_mask)
    x = jnp.where(freq_sel[:, None], jnp.zeros((), dtype=x.dtype), x)

    # time mask (scattered on axis 0)
    t_mask = min(TIME_MASK, max_time_mask)
    t_mask = min(t_mask, t)
    t0 = jax.random.randint(k2, (), 0, max(1, t - t_mask))
    time_sel = (rows >= t0) & (rows < t0 + t_mask)
    x = jnp.where(time_sel[:, None], jnp.zeros((), dtype=x.dtype), x)

    return jnp.where(training, x, x_orig)

if __name__ == "__main__":
    import jax
    _d = setup_inputs()
    print(jax.jit(kernel)(*tuple(_d.values())))

</pallas_src>

<mosaic_0001>
#map = affine_map<(d0, d1) -> (0, 0)>
#map1 = affine_map<(d0, d1) -> (0)>
module attributes {stable_mosaic.version = 14 : i64} {
  func.func @sc_kernel(%arg0: i32, %arg1: i32, %arg2: memref<3000x512xf32, #tpu.memory_space<hbm>>, %arg3: memref<16xf32, #tpu.memory_space<hbm>>, %arg4: memref<3000x512xf32, #tpu.memory_space<hbm>>, %arg5: memref<2x48x512xf32, #tpu.memory_space<vmem>>, %arg6: memref<16xf32, #tpu.memory_space<vmem>>, %arg7: memref<!tpu.dma_semaphore, #tpu.memory_space<semaphore_mem>>, %arg8: memref<!tpu.dma_semaphore, #tpu.memory_space<semaphore_mem>>, %arg9: memref<!tpu.dma_semaphore, #tpu.memory_space<semaphore_mem>>, %arg10: memref<!tpu.dma_semaphore, #tpu.memory_space<semaphore_mem>>) attributes {dimension_semantics = [#tpu.dimension_semantics<core_parallel>, #tpu.dimension_semantics<subcore_parallel>], iteration_bounds = array<i64: 2, 16>, scalar_prefetch = 0 : i64, scratch_operands = 6 : i64, tpu.core_type = #tpu.core_type<sc_vector_subcore>, window_params = [{transform_indices = #map}, {transform_indices = #map1}, {transform_indices = #map}]} {
    %mul3A = arith.constant 2 : i32
    %mul3A_0 = arith.muli %arg1, %mul3A : i32
    %add3A = arith.addi %mul3A_0, %arg0 : i32
    %lt3A = arith.constant 23 : i32
    %lt3A_1 = arith.cmpi slt, %add3A, %lt3A : i32
    %convert_element_type3A = arith.extui %lt3A_1 : i1 to i32
    %cond3A = arith.constant 0 : i32
    %cond3A_2 = arith.cmpi ne, %convert_element_type3A, %cond3A : i32
    scf.if %cond3A_2 {
      %mul3A_7 = arith.constant 96 : i32
      %mul3A_8 = arith.muli %mul3A_7, %add3A : i32
      %multiple_of3A = tpu.assume_multiple %mul3A_8, 8 : i32
      %add3A_9 = arith.constant 0 : i32
      %add3A_10 = arith.addi %multiple_of3A, %add3A_9 : i32
      %dma_start3A = arith.constant 0 : i32
      %dma_start3A_11 = arith.constant 0 : i32
      %dma_start3A_12 = arith.constant 0 : i32
      %dma_start3A_13 = tpu.memref_slice %arg5[%dma_start3A, %dma_start3A_11, %dma_start3A_12] : memref<2x48x512xf32, #tpu.memory_space<vmem>> -> memref<1x48x512xf32, #tpu.memory_space<vmem>>
      %dma_start3A_14 = tpu.memref_squeeze %dma_start3A_13 : memref<1x48x512xf32, #tpu.memory_space<vmem>> -> memref<48x512xf32, #tpu.memory_space<vmem>>
      %dma_start3A_15 = arith.constant 0 : i32
      %dma_start3A_16 = tpu.memref_slice %arg2[%add3A_10, %dma_start3A_15] : memref<3000x512xf32, #tpu.memory_space<hbm>> -> memref<48x512xf32, #tpu.memory_space<hbm>>
      %dma_start3A_17 = arith.constant 0 : i32
      %dma_start3A_18 = arith.constant 0 : i32
      %dma_start3A_19 = tpu.memref_slice %arg5[%dma_start3A, %dma_start3A_17, %dma_start3A_18] : memref<2x48x512xf32, #tpu.memory_space<vmem>> -> memref<1x48x512xf32, #tpu.memory_space<vmem>>
      %dma_start3A_20 = tpu.memref_squeeze %dma_start3A_19 : memref<1x48x512xf32, #tpu.memory_space<vmem>> -> memref<48x512xf32, #tpu.memory_space<vmem>>
      %dma_start3A_21 = arith.constant 0 : i32
      %dma_start3A_22 = tpu.memref_slice %arg2[%add3A_10, %dma_start3A_21] : memref<3000x512xf32, #tpu.memory_space<hbm>> -> memref<48x512xf32, #tpu.memory_space<hbm>>
      tpu.enqueue_dma source(%dma_start3A_22 : memref<48x512xf32, #tpu.memory_space<hbm>>) target(%dma_start3A_20 : memref<48x512xf32, #tpu.memory_space<vmem>>) target_semaphore(%arg7 : memref<!tpu.dma_semaphore, #tpu.memory_space<semaphore_mem>>)
      %add3A_23 = arith.constant 48 : i32
      %add3A_24 = arith.addi %multiple_of3A, %add3A_23 : i32
      %dma_start3A_25 = arith.constant 1 : i32
      %dma_start3A_26 = arith.constant 0 : i32
      %dma_start3A_27 = arith.constant 0 : i32
      %dma_start3A_28 = tpu.memref_slice %arg5[%dma_start3A_25, %dma_start3A_26, %dma_start3A_27] : memref<2x48x512xf32, #tpu.memory_space<vmem>> -> memref<1x48x512xf32, #tpu.memory_space<vmem>>
      %dma_start3A_29 = tpu.memref_squeeze %dma_start3A_28 : memref<1x48x512xf32, #tpu.memory_space<vmem>> -> memref<48x512xf32, #tpu.memory_space<vmem>>
      %dma_start3A_30 = arith.constant 0 : i32
      %dma_start3A_31 = tpu.memref_slice %arg2[%add3A_24, %dma_start3A_30] : memref<3000x512xf32, #tpu.memory_space<hbm>> -> memref<48x512xf32, #tpu.memory_space<hbm>>
      %dma_start3A_32 = arith.constant 0 : i32
      %dma_start3A_33 = arith.constant 0 : i32
      %dma_start3A_34 = tpu.memref_slice %arg5[%dma_start3A_25, %dma_start3A_32, %dma_start3A_33] : memref<2x48x512xf32, #tpu.memory_space<vmem>> -> memref<1x48x512xf32, #tpu.memory_space<vmem>>
      %dma_start3A_35 = tpu.memref_squeeze %dma_start3A_34 : memref<1x48x512xf32, #tpu.memory_space<vmem>> -> memref<48x512xf32, #tpu.memory_space<vmem>>
      %dma_start3A_36 = arith.constant 0 : i32
      %dma_start3A_37 = tpu.memref_slice %arg2[%add3A_24, %dma_start3A_36] : memref<3000x512xf32, #tpu.memory_space<hbm>> -> memref<48x512xf32, #tpu.memory_space<hbm>>
      tpu.enqueue_dma source(%dma_start3A_37 : memref<48x512xf32, #tpu.memory_space<hbm>>) target(%dma_start3A_35 : memref<48x512xf32, #tpu.memory_space<vmem>>) target_semaphore(%arg8 : memref<!tpu.dma_semaphore, #tpu.memory_space<semaphore_mem>>)
      %dma_wait3A = arith.constant 0 : i32
      %dma_wait3A_38 = arith.constant 0 : i32
      %dma_wait3A_39 = arith.constant 0 : i32
      %dma_wait3A_40 = tpu.memref_slice %arg5[%dma_wait3A, %dma_wait3A_38, %dma_wait3A_39] : memref<2x48x512xf32, #tpu.memory_space<vmem>> -> memref<1x48x512xf32, #tpu.memory_space<vmem>>
      %dma_wait3A_41 = tpu.memref_squeeze %dma_wait3A_40 : memref<1x48x512xf32, #tpu.memory_space<vmem>> -> memref<48x512xf32, #tpu.memory_space<vmem>>
      %dma_wait3A_42 = arith.constant 0 : i32
      %dma_wait3A_43 = tpu.memref_slice %arg2[%add3A_10, %dma_wait3A_42] : memref<3000x512xf32, #tpu.memory_space<hbm>> -> memref<48x512xf32, #tpu.memory_space<hbm>>
      %dma_wait3A_44 = arith.constant 0 : i32
      %dma_wait3A_45 = arith.constant 0 : i32
      %dma_wait3A_46 = tpu.memref_slice %arg5[%dma_wait3A, %dma_wait3A_44, %dma_wait3A_45] : memref<2x48x512xf32, #tpu.memory_space<vmem>> -> memref<1x48x512xf32, #tpu.memory_space<vmem>>
      %dma_wait3A_47 = tpu.memref_squeeze %dma_wait3A_46 : memref<1x48x512xf32, #tpu.memory_space<vmem>> -> memref<48x512xf32, #tpu.memory_space<vmem>>
      %dma_wait3A_48 = arith.constant 0 : i32
      %dma_wait3A_49 = tpu.memref_slice %arg2[%add3A_10, %dma_wait3A_48] : memref<3000x512xf32, #tpu.memory_space<hbm>> -> memref<48x512xf32, #tpu.memory_space<hbm>>
      tpu.wait_dma2 semaphore(%arg7 : memref<!tpu.dma_semaphore, #tpu.memory_space<semaphore_mem>>) src(%dma_wait3A_49 : memref<48x512xf32, #tpu.memory_space<hbm>>) dst(%dma_wait3A_47 : memref<48x512xf32, #tpu.memory_space<vmem>>)
      %eq3A = arith.constant 5 : i32
      %eq3A_50 = arith.cmpi eq, %add3A, %eq3A : i32
      %convert_element_type3A_51 = arith.extui %eq3A_50 : i1 to i32
      %cond3A_52 = arith.constant 0 : i32
      %cond3A_53 = arith.cmpi ne, %convert_element_type3A_51, %cond3A_52 : i32
      scf.if %cond3A_53 {
        "tpu.region"() ({
          %run_scoped3A = tpu.sem_alloc : memref<!tpu.dma_semaphore, #tpu.memory_space<semaphore_mem>>
          tpu.enqueue_dma source(%arg3 : memref<16xf32, #tpu.memory_space<hbm>>) target(%arg6 : memref<16xf32, #tpu.memory_space<vmem>>) target_semaphore(%run_scoped3A : memref<!tpu.dma_semaphore, #tpu.memory_space<semaphore_mem>>)
          tpu.wait_dma2 semaphore(%run_scoped3A : memref<!tpu.dma_semaphore, #tpu.memory_space<semaphore_mem>>) src(%arg3 : memref<16xf32, #tpu.memory_space<hbm>>) dst(%arg6 : memref<16xf32, #tpu.memory_space<vmem>>)
          tpu.yield
        }) : () -> ()
        %get3A = arith.constant 0 : index
        %get3A_128 = tpu.vector_load %arg6[%get3A] {strides = array<i32>} : memref<16xf32, #tpu.memory_space<vmem>>, vector<16xf32>,
        %get3A_129 = vector.shape_cast %get3A_128 : vector<16xf32> to vector<16xf32>
        %scan3A = arith.constant 0 : i32
        %scan3A_130 = arith.constant 4 : i32
        %scan3A_131 = arith.constant 10 : i32
        %scan3A_132 = arith.addi %scan3A_130, %scan3A_131 : i32
        %scan3A_133 = arith.constant 1 : i32
        scf.for %scan3A_135 = %scan3A_130 to %scan3A_132 step %scan3A_133  : i32 {
          %get3A_136 = arith.constant 0 : i32
          %get3A_137 = arith.index_cast %get3A_136 : i32 to index
          %get3A_138 = arith.index_cast %scan3A_135 : i32 to index
          %get3A_139 = arith.constant 0 : index
          %get3A_140 = tpu.vector_load %arg5[%get3A_137, %get3A_138, %get3A_139] {strides = array<i32>} : memref<2x48x512xf32, #tpu.memory_space<vmem>>, vector<1x1x16xf32>,
          %get3A_141 = vector.shape_cast %get3A_140 : vector<1x1x16xf32> to vector<16xf32>
          %mul3A_142 = arith.mulf %get3A_141, %get3A_129 : vector<16xf32>
          %swap3A = arith.constant 0 : i32
          %swap3A_143 = arith.index_cast %swap3A : i32 to index
          %swap3A_144 = arith.index_cast %scan3A_135 : i32 to index
          %swap3A_145 = arith.constant 0 : index
          %swap3A_146 = tpu.vector_load %arg5[%swap3A_143, %swap3A_144, %swap3A_145] {strides = array<i32>} : memref<2x48x512xf32, #tpu.memory_space<vmem>>, vector<1x1x16xf32>,
          %swap3A_147 = vector.shape_cast %swap3A_146 : vector<1x1x16xf32> to vector<16xf32>
          %swap3A_148 = vector.shape_cast %mul3A_142 : vector<16xf32> to vector<1x1x16xf32>
          tpu.vector_store %arg5[%swap3A_143, %swap3A_144, %swap3A_145], %swap3A_148 {strides = array<i32>} : memref<2x48x512xf32, #tpu.memory_space<vmem>>, vector<1x1x16xf32>,
          %get3A_149 = arith.constant 0 : i32
          %get3A_150 = arith.index_cast %get3A_149 : i32 to index
          %get3A_151 = arith.index_cast %scan3A_135 : i32 to index
          %get3A_152 = arith.constant 16 : index
          %get3A_153 = tpu.vector_load %arg5[%get3A_150, %get3A_151, %get3A_152] {strides = array<i32>} : memref<2x48x512xf32, #tpu.memory_space<vmem>>, vector<1x1x16xf32>,
          %get3A_154 = vector.shape_cast %get3A_153 : vector<1x1x16xf32> to vector<16xf32>
          %mul3A_155 = arith.mulf %get3A_154, %get3A_129 : vector<16xf32>
          %swap3A_156 = arith.constant 0 : i32
          %swap3A_157 = arith.index_cast %swap3A_156 : i32 to index
          %swap3A_158 = arith.index_cast %scan3A_135 : i32 to index
          %swap3A_159 = arith.constant 16 : index
          %swap3A_160 = tpu.vector_load %arg5[%swap3A_157, %swap3A_158, %swap3A_159] {strides = array<i32>} : memref<2x48x512xf32, #tpu.memory_space<vmem>>, vector<1x1x16xf32>,
          %swap3A_161 = vector.shape_cast %swap3A_160 : vector<1x1x16xf32> to vector<16xf32>
          %swap3A_162 = vector.shape_cast %mul3A_155 : vector<16xf32> to vector<1x1x16xf32>
          tpu.vector_store %arg5[%swap3A_157, %swap3A_158, %swap3A_159], %swap3A_162 {strides = array<i32>} : memref<2x48x512xf32, #tpu.memory_space<vmem>>, vector<1x1x16xf32>,
          %get3A_163 = arith.constant 0 : i32
          %get3A_164 = arith.index_cast %get3A_163 : i32 to index
          %get3A_165 = arith.index_cast %scan3A_135 : i32 to index
          %get3A_166 = arith.constant 32 : index
          %get3A_167 = tpu.vector_load %arg5[%get3A_164, %get3A_165, %get3A_166] {strides = array<i32>} : memref<2x48x512xf32, #tpu.memory_space<vmem>>, vector<1x1x16xf32>,
          %get3A_168 = vector.shape_cast %get3A_167 : vector<1x1x16xf32> to vector<16xf32>
          %mul3A_169 = arith.mulf %get3A_168, %get3A_129 : vector<16xf32>
          %swap3A_170 = arith.constant 0 : i32
          %swap3A_171 = arith.index_cast %swap3A_170 : i32 to index
          %swap3A_172 = arith.index_cast %scan3A_135 : i32 to index
          %swap3A_173 = arith.constant 32 : index
          %swap3A_174 = tpu.vector_load %arg5[%swap3A_171, %swap3A_172, %swap3A_173] {strides = array<i32>} : memref<2x48x512xf32, #tpu.memory_space<vmem>>, vector<1x1x16xf32>,
          %swap3A_175 = vector.shape_cast %swap3A_174 : vector<1x1x16xf32> to vector<16xf32>
          %swap3A_176 = vector.shape_cast %mul3A_169 : vector<16xf32> to vector<1x1x16xf32>
          tpu.vector_store %arg5[%swap3A_171, %swap3A_172, %swap3A_173], %swap3A_176 {strides = array<i32>} : memref<2x48x512xf32, #tpu.memory_space<vmem>>, vector<1x1x16xf32>,
          %get3A_177 = arith.constant 0 : i32
          %get3A_178 = arith.index_cast %get3A_177 : i32 to index
          %get3A_179 = arith.index_cast %scan3A_135 : i32 to index
          %get3A_180 = arith.constant 48 : index
          %get3A_181 = tpu.vector_load %arg5[%get3A_178, %get3A_179, %get3A_180] {strides = array<i32>} : memref<2x48x512xf32, #tpu.memory_space<vmem>>, vector<1x1x16xf32>,
          %get3A_182 = vector.shape_cast %get3A_181 : vector<1x1x16xf32> to vector<16xf32>
          %mul3A_183 = arith.mulf %get3A_182, %get3A_129 : vector<16xf32>
          %swap3A_184 = arith.constant 0 : i32
          %swap3A_185 = arith.index_cast %swap3A_184 : i32 to index
          %swap3A_186 = arith.index_cast %scan3A_135 : i32 to index
          %swap3A_187 = arith.constant 48 : index
          %swap3A_188 = tpu.vector_load %arg5[%swap3A_185, %swap3A_186, %swap3A_187] {strides = array<i32>} : memref<2x48x512xf32, #tpu.memory_space<vmem>>, vector<1x1x16xf32>,
          %swap3A_189 = vector.shape_cast %swap3A_188 : vector<1x1x16xf32> to vector<16xf32>
          %swap3A_190 = vector.shape_cast %mul3A_183 : vector<16xf32> to vector<1x1x16xf32>
          tpu.vector_store %arg5[%swap3A_185, %swap3A_186, %swap3A_187], %swap3A_190 {strides = array<i32>} : memref<2x48x512xf32, #tpu.memory_space<vmem>>, vector<1x1x16xf32>,
          %get3A_191 = arith.constant 0 : i32
          %get3A_192 = arith.index_cast %get3A_191 : i32 to index
          %get3A_193 = arith.index_cast %scan3A_135 : i32 to index
          %get3A_194 = arith.constant 64 : index
          %get3A_195 = tpu.vector_load %arg5[%get3A_192, %get3A_193, %get3A_194] {strides = array<i32>} : memref<2x48x512xf32, #tpu.memory_space<vmem>>, vector<1x1x16xf32>,
          %get3A_196 = vector.shape_cast %get3A_195 : vector<1x1x16xf32> to vector<16xf32>
          %mul3A_197 = arith.mulf %get3A_196, %get3A_129 : vector<16xf32>
          %swap3A_198 = arith.constant 0 : i32
          %swap3A_199 = arith.index_cast %swap3A_198 : i32 to index
          %swap3A_200 = arith.index_cast %scan3A_135 : i32 to index
          %swap3A_201 = arith.constant 64 : index
          %swap3A_202 = tpu.vector_load %arg5[%swap3A_199, %swap3A_200, %swap3A_201] {strides = array<i32>} : memref<2x48x512xf32, #tpu.memory_space<vmem>>, vector<1x1x16xf32>,
          %swap3A_203 = vector.shape_cast %swap3A_202 : vector<1x1x16xf32> to vector<16xf32>
          %swap3A_204 = vector.shape_cast %mul3A_197 : vector<16xf32> to vector<1x1x16xf32>
          tpu.vector_store %arg5[%swap3A_199, %swap3A_200, %swap3A_201], %swap3A_204 {strides = array<i32>} : memref<2x48x512xf32, #tpu.memory_space<vmem>>, vector<1x1x16xf32>,
          %get3A_205 = arith.constant 0 : i32
          %get3A_206 = arith.index_cast %get3A_205 : i32 to index
          %get3A_207 = arith.index_cast %scan3A_135 : i32 to index
          %get3A_208 = arith.constant 80 : index
          %get3A_209 = tpu.vector_load %arg5[%get3A_206, %get3A_207, %get3A_208] {strides = array<i32>} : memref<2x48x512xf32, #tpu.memory_space<vmem>>, vector<1x1x16xf32>,
          %get3A_210 = vector.shape_cast %get3A_209 : vector<1x1x16xf32> to vector<16xf32>
          %mul3A_211 = arith.mulf %get3A_210, %get3A_129 : vector<16xf32>
          %swap3A_212 = arith.constant 0 : i32
          %swap3A_213 = arith.index_cast %swap3A_212 : i32 to index
          %swap3A_214 = arith.index_cast %scan3A_135 : i32 to index
          %swap3A_215 = arith.constant 80 : index
          %swap3A_216 = tpu.vector_load %arg5[%swap3A_213, %swap3A_214, %swap3A_215] {strides = array<i32>} : memref<2x48x512xf32, #tpu.memory_space<vmem>>, vector<1x1x16xf32>,
          %swap3A_217 = vector.shape_cast %swap3A_216 : vector<1x1x16xf32> to vector<16xf32>
          %swap3A_218 = vector.shape_cast %mul3A_211 : vector<16xf32> to vector<1x1x16xf32>
          tpu.vector_store %arg5[%swap3A_213, %swap3A_214, %swap3A_215], %swap3A_218 {strides = array<i32>} : memref<2x48x512xf32, #tpu.memory_space<vmem>>, vector<1x1x16xf32>,
          %get3A_219 = arith.constant 0 : i32
          %get3A_220 = arith.index_cast %get3A_219 : i32 to index
          %get3A_221 = arith.index_cast %scan3A_135 : i32 to index
          %get3A_222 = arith.constant 96 : index
          %get3A_223 = tpu.vector_load %arg5[%get3A_220, %get3A_221, %get3A_222] {strides = array<i32>} : memref<2x48x512xf32, #tpu.memory_space<vmem>>, vector<1x1x16xf32>,
          %get3A_224 = vector.shape_cast %get3A_223 : vector<1x1x16xf32> to vector<16xf32>
          %mul3A_225 = arith.mulf %get3A_224, %get3A_129 : vector<16xf32>
          %swap3A_226 = arith.constant 0 : i32
          %swap3A_227 = arith.index_cast %swap3A_226 : i32 to index
          %swap3A_228 = arith.index_cast %scan3A_135 : i32 to index
          %swap3A_229 = arith.constant 96 : index
          %swap3A_230 = tpu.vector_load %arg5[%swap3A_227, %swap3A_228, %swap3A_229] {strides = array<i32>} : memref<2x48x512xf32, #tpu.memory_space<vmem>>, vector<1x1x16xf32>,
          %swap3A_231 = vector.shape_cast %swap3A_230 : vector<1x1x16xf32> to vector<16xf32>
          %swap3A_232 = vector.shape_cast %mul3A_225 : vector<16xf32> to vector<1x1x16xf32>
          tpu.vector_store %arg5[%swap3A_227, %swap3A_228, %swap3A_229], %swap3A_232 {strides = array<i32>} : memref<2x48x512xf32, #tpu.memory_space<vmem>>, vector<1x1x16xf32>,
          %get3A_233 = arith.constant 0 : i32
          %get3A_234 = arith.index_cast %get3A_233 : i32 to index
          %get3A_235 = arith.index_cast %scan3A_135 : i32 to index
          %get3A_236 = arith.constant 112 : index
          %get3A_237 = tpu.vector_load %arg5[%get3A_234, %get3A_235, %get3A_236] {strides = array<i32>} : memref<2x48x512xf32, #tpu.memory_space<vmem>>, vector<1x1x16xf32>,
          %get3A_238 = vector.shape_cast %get3A_237 : vector<1x1x16xf32> to vector<16xf32>
          %mul3A_239 = arith.mulf %get3A_238, %get3A_129 : vector<16xf32>
          %swap3A_240 = arith.constant 0 : i32
          %swap3A_241 = arith.index_cast %swap3A_240 : i32 to index
          %swap3A_242 = arith.index_cast %scan3A_135 : i32 to index
          %swap3A_243 = arith.constant 112 : index
          %swap3A_244 = tpu.vector_load %arg5[%swap3A_241, %swap3A_242, %swap3A_243] {strides = array<i32>} : memref<2x48x512xf32, #tpu.memory_space<vmem>>, vector<1x1x16xf32>,
          %swap3A_245 = vector.shape_cast %swap3A_244 : vector<1x1x16xf32> to vector<16xf32>
          %swap3A_246 = vector.shape_cast %mul3A_239 : vector<16xf32> to vector<1x1x16xf32>
          tpu.vector_store %arg5[%swap3A_241, %swap3A_242, %swap3A_243], %swap3A_246 {strides = array<i32>} : memref<2x48x512xf32, #tpu.memory_space<vmem>>, vector<1x1x16xf32>,
          %get3A_247 = arith.constant 0 : i32
          %get3A_248 = arith.index_cast %get3A_247 : i32 to index
          %get3A_249 = arith.index_cast %scan3A_135 : i32 to index
          %get3A_250 = arith.constant 128 : index
          %get3A_251 = tpu.vector_load %arg5[%get3A_248, %get3A_249, %get3A_250] {strides = array<i32>} : memref<2x48x512xf32, #tpu.memory_space<vmem>>, vector<1x1x16xf32>,
          %get3A_252 = vector.shape_cast %get3A_251 : vector<1x1x16xf32> to vector<16xf32>
          %mul3A_253 = arith.mulf %get3A_252, %get3A_129 : vector<16xf32>
          %swap3A_254 = arith.constant 0 : i32
          %swap3A_255 = arith.index_cast %swap3A_254 : i32 to index
          %swap3A_256 = arith.index_cast %scan3A_135 : i32 to index
          %swap3A_257 = arith.constant 128 : index
          %swap3A_258 = tpu.vector_load %arg5[%swap3A_255, %swap3A_256, %swap3A_257] {strides = array<i32>} : memref<2x48x512xf32, #tpu.memory_space<vmem>>, vector<1x1x16xf32>,
          %swap3A_259 = vector.shape_cast %swap3A_258 : vector<1x1x16xf32> to vector<16xf32>
          %swap3A_260 = vector.shape_cast %mul3A_253 : vector<16xf32> to vector<1x1x16xf32>
          tpu.vector_store %arg5[%swap3A_255, %swap3A_256, %swap3A_257], %swap3A_260 {strides = array<i32>} : memref<2x48x512xf32, #tpu.memory_space<vmem>>, vector<1x1x16xf32>,
          %get3A_261 = arith.constant 0 : i32
          %get3A_262 = arith.index_cast %get3A_261 : i32 to index
          %get3A_263 = arith.index_cast %scan3A_135 : i32 to index
          %get3A_264 = arith.constant 144 : index
          %get3A_265 = tpu.vector_load %arg5[%get3A_262, %get3A_263, %get3A_264] {strides = array<i32>} : memref<2x48x512xf32, #tpu.memory_space<vmem>>, vector<1x1x16xf32>,
          %get3A_266 = vector.shape_cast %get3A_265 : vector<1x1x16xf32> to vector<16xf32>
          %mul3A_267 = arith.mulf %get3A_266, %get3A_129 : vector<16xf32>
          %swap3A_268 = arith.constant 0 : i32
          %swap3A_269 = arith.index_cast %swap3A_268 : i32 to index
          %swap3A_270 = arith.index_cast %scan3A_135 : i32 to index
          %swap3A_271 = arith.constant 144 : index
          %swap3A_272 = tpu.vector_load %arg5[%swap3A_269, %swap3A_270, %swap3A_271] {strides = array<i32>} : memref<2x48x512xf32, #tpu.memory_space<vmem>>, vector<1x1x16xf32>,
          %swap3A_273 = vector.shape_cast %swap3A_272 : vector<1x1x16xf32> to vector<16xf32>
          %swap3A_274 = vector.shape_cast %mul3A_267 : vector<16xf32> to vector<1x1x16xf32>
          tpu.vector_store %arg5[%swap3A_269, %swap3A_270, %swap3A_271], %swap3A_274 {strides = array<i32>} : memref<2x48x512xf32, #tpu.memory_space<vmem>>, vector<1x1x16xf32>,
          %get3A_275 = arith.constant 0 : i32
          %get3A_276 = arith.index_cast %get3A_275 : i32 to index
          %get3A_277 = arith.index_cast %scan3A_135 : i32 to index
          %get3A_278 = arith.constant 160 : index
          %get3A_279 = tpu.vector_load %arg5[%get3A_276, %get3A_277, %get3A_278] {strides = array<i32>} : memref<2x48x512xf32, #tpu.memory_space<vmem>>, vector<1x1x16xf32>,
          %get3A_280 = vector.shape_cast %get3A_279 : vector<1x1x16xf32> to vector<16xf32>
          %mul3A_281 = arith.mulf %get3A_280, %get3A_129 : vector<16xf32>
          %swap3A_282 = arith.constant 0 : i32
          %swap3A_283 = arith.index_cast %swap3A_282 : i32 to index
          %swap3A_284 = arith.index_cast %scan3A_135 : i32 to index
          %swap3A_285 = arith.constant 160 : index
          %swap3A_286 = tpu.vector_load %arg5[%swap3A_283, %swap3A_284, %swap3A_285] {strides = array<i32>} : memref<2x48x512xf32, #tpu.memory_space<vmem>>, vector<1x1x16xf32>,
          %swap3A_287 = vector.shape_cast %swap3A_286 : vector<1x1x16xf32> to vector<16xf32>
          %swap3A_288 = vector.shape_cast %mul3A_281 : vector<16xf32> to vector<1x1x16xf32>
          tpu.vector_store %arg5[%swap3A_283, %swap3A_284, %swap3A_285], %swap3A_288 {strides = array<i32>} : memref<2x48x512xf32, #tpu.memory_space<vmem>>, vector<1x1x16xf32>,
          %get3A_289 = arith.constant 0 : i32
          %get3A_290 = arith.index_cast %get3A_289 : i32 to index
          %get3A_291 = arith.index_cast %scan3A_135 : i32 to index
          %get3A_292 = arith.constant 176 : index
          %get3A_293 = tpu.vector_load %arg5[%get3A_290, %get3A_291, %get3A_292] {strides = array<i32>} : memref<2x48x512xf32, #tpu.memory_space<vmem>>, vector<1x1x16xf32>,
          %get3A_294 = vector.shape_cast %get3A_293 : vector<1x1x16xf32> to vector<16xf32>
          %mul3A_295 = arith.mulf %get3A_294, %get3A_129 : vector<16xf32>
          %swap3A_296 = arith.constant 0 : i32
          %swap3A_297 = arith.index_cast %swap3A_296 : i32 to index
          %swap3A_298 = arith.index_cast %scan3A_135 : i32 to index
          %swap3A_299 = arith.constant 176 : index
          %swap3A_300 = tpu.vector_load %arg5[%swap3A_297, %swap3A_298, %swap3A_299] {strides = array<i32>} : memref<2x48x512xf32, #tpu.memory_space<vmem>>, vector<1x1x16xf32>,
          %swap3A_301 = vector.shape_cast %swap3A_300 : vector<1x1x16xf32> to vector<16xf32>
          %swap3A_302 = vector.shape_cast %mul3A_295 : vector<16xf32> to vector<1x1x16xf32>
          tpu.vector_store %arg5[%swap3A_297, %swap3A_298, %swap3A_299], %swap3A_302 {strides = array<i32>} : memref<2x48x512xf32, #tpu.memory_space<vmem>>, vector<1x1x16xf32>,
          %get3A_303 = arith.constant 0 : i32
          %get3A_304 = arith.index_cast %get3A_303 : i32 to index
          %get3A_305 = arith.index_cast %scan3A_135 : i32 to index
          %get3A_306 = arith.constant 192 : index
          %get3A_307 = tpu.vector_load %arg5[%get3A_304, %get3A_305, %get3A_306] {strides = array<i32>} : memref<2x48x512xf32, #tpu.memory_space<vmem>>, vector<1x1x16xf32>,
          %get3A_308 = vector.shape_cast %get3A_307 : vector<1x1x16xf32> to vector<16xf32>
          %mul3A_309 = arith.mulf %get3A_308, %get3A_129 : vector<16xf32>
          %swap3A_310 = arith.constant 0 : i32
          %swap3A_311 = arith.index_cast %swap3A_310 : i32 to index
          %swap3A_312 = arith.index_cast %scan3A_135 : i32 to index
          %swap3A_313 = arith.constant 192 : index
          %swap3A_314 = tpu.vector_load %arg5[%swap3A_311, %swap3A_312, %swap3A_313] {strides = array<i32>} : memref<2x48x512xf32, #tpu.memory_space<vmem>>, vector<1x1x16xf32>,
          %swap3A_315 = vector.shape_cast %swap3A_314 : vector<1x1x16xf32> to vector<16xf32>
          %swap3A_316 = vector.shape_cast %mul3A_309 : vector<16xf32> to vector<1x1x16xf32>
          tpu.vector_store %arg5[%swap3A_311, %swap3A_312, %swap3A_313], %swap3A_316 {strides = array<i32>} : memref<2x48x512xf32, #tpu.memory_space<vmem>>, vector<1x1x16xf32>,
          %get3A_317 = arith.constant 0 : i32
          %get3A_318 = arith.index_cast %get3A_317 : i32 to index
          %get3A_319 = arith.index_cast %scan3A_135 : i32 to index
          %get3A_320 = arith.constant 208 : index
          %get3A_321 = tpu.vector_load %arg5[%get3A_318, %get3A_319, %get3A_320] {strides = array<i32>} : memref<2x48x512xf32, #tpu.memory_space<vmem>>, vector<1x1x16xf32>,
          %get3A_322 = vector.shape_cast %get3A_321 : vector<1x1x16xf32> to vector<16xf32>
          %mul3A_323 = arith.mulf %get3A_322, %get3A_129 : vector<16xf32>
          %swap3A_324 = arith.constant 0 : i32
          %swap3A_325 = arith.index_cast %swap3A_324 : i32 to index
          %swap3A_326 = arith.index_cast %scan3A_135 : i32 to index
          %swap3A_327 = arith.constant 208 : index
          %swap3A_328 = tpu.vector_load %arg5[%swap3A_325, %swap3A_326, %swap3A_327] {strides = array<i32>} : memref<2x48x512xf32, #tpu.memory_space<vmem>>, vector<1x1x16xf32>,
          %swap3A_329 = vector.shape_cast %swap3A_328 : vector<1x1x16xf32> to vector<16xf32>
          %swap3A_330 = vector.shape_cast %mul3A_323 : vector<16xf32> to vector<1x1x16xf32>
          tpu.vector_store %arg5[%swap3A_325, %swap3A_326, %swap3A_327], %swap3A_330 {strides = array<i32>} : memref<2x48x512xf32, #tpu.memory_space<vmem>>, vector<1x1x16xf32>,
          %get3A_331 = arith.constant 0 : i32
          %get3A_332 = arith.index_cast %get3A_331 : i32 to index
          %get3A_333 = arith.index_cast %scan3A_135 : i32 to index
          %get3A_334 = arith.constant 224 : index
          %get3A_335 = tpu.vector_load %arg5[%get3A_332, %get3A_333, %get3A_334] {strides = array<i32>} : memref<2x48x512xf32, #tpu.memory_space<vmem>>, vector<1x1x16xf32>,
          %get3A_336 = vector.shape_cast %get3A_335 : vector<1x1x16xf32> to vector<16xf32>
          %mul3A_337 = arith.mulf %get3A_336, %get3A_129 : vector<16xf32>
          %swap3A_338 = arith.constant 0 : i32
          %swap3A_339 = arith.index_cast %swap3A_338 : i32 to index
          %swap3A_340 = arith.index_cast %scan3A_135 : i32 to index
          %swap3A_341 = arith.constant 224 : index
          %swap3A_342 = tpu.vector_load %arg5[%swap3A_339, %swap3A_340, %swap3A_341] {strides = array<i32>} : memref<2x48x512xf32, #tpu.memory_space<vmem>>, vector<1x1x16xf32>,
          %swap3A_343 = vector.shape_cast %swap3A_342 : vector<1x1x16xf32> to vector<16xf32>
          %swap3A_344 = vector.shape_cast %mul3A_337 : vector<16xf32> to vector<1x1x16xf32>
          tpu.vector_store %arg5[%swap3A_339, %swap3A_340, %swap3A_341], %swap3A_344 {strides = array<i32>} : memref<2x48x512xf32, #tpu.memory_space<vmem>>, vector<1x1x16xf32>,
          %get3A_345 = arith.constant 0 : i32
          %get3A_346 = arith.index_cast %get3A_345 : i32 to index
          %get3A_347 = arith.index_cast %scan3A_135 : i32 to index
          %get3A_348 = arith.constant 240 : index
          %get3A_349 = tpu.vector_load %arg5[%get3A_346, %get3A_347, %get3A_348] {strides = array<i32>} : memref<2x48x512xf32, #tpu.memory_space<vmem>>, vector<1x1x16xf32>,
          %get3A_350 = vector.shape_cast %get3A_349 : vector<1x1x16xf32> to vector<16xf32>
          %mul3A_351 = arith.mulf %get3A_350, %get3A_129 : vector<16xf32>
          %swap3A_352 = arith.constant 0 : i32
          %swap3A_353 = arith.index_cast %swap3A_352 : i32 to index
          %swap3A_354 = arith.index_cast %scan3A_135 : i32 to index
          %swap3A_355 = arith.constant 240 : index
          %swap3A_356 = tpu.vector_load %arg5[%swap3A_353, %swap3A_354, %swap3A_355] {strides = array<i32>} : memref<2x48x512xf32, #tpu.memory_space<vmem>>, vector<1x1x16xf32>,
          %swap3A_357 = vector.shape_cast %swap3A_356 : vector<1x1x16xf32> to vector<16xf32>
          %swap3A_358 = vector.shape_cast %mul3A_351 : vector<16xf32> to vector<1x1x16xf32>
          tpu.vector_store %arg5[%swap3A_353, %swap3A_354, %swap3A_355], %swap3A_358 {strides = array<i32>} : memref<2x48x512xf32, #tpu.memory_space<vmem>>, vector<1x1x16xf32>,
          %get3A_359 = arith.constant 0 : i32
          %get3A_360 = arith.index_cast %get3A_359 : i32 to index
          %get3A_361 = arith.index_cast %scan3A_135 : i32 to index
          %get3A_362 = arith.constant 256 : index
          %get3A_363 = tpu.vector_load %arg5[%get3A_360, %get3A_361, %get3A_362] {strides = array<i32>} : memref<2x48x512xf32, #tpu.memory_space<vmem>>, vector<1x1x16xf32>,
          %get3A_364 = vector.shape_cast %get3A_363 : vector<1x1x16xf32> to vector<16xf32>
          %mul3A_365 = arith.mulf %get3A_364, %get3A_129 : vector<16xf32>
          %swap3A_366 = arith.constant 0 : i32
          %swap3A_367 = arith.index_cast %swap3A_366 : i32 to index
          %swap3A_368 = arith.index_cast %scan3A_135 : i32 to index
          %swap3A_369 = arith.constant 256 : index
          %swap3A_370 = tpu.vector_load %arg5[%swap3A_367, %swap3A_368, %swap3A_369] {strides = array<i32>} : memref<2x48x512xf32, #tpu.memory_space<vmem>>, vector<1x1x16xf32>,
          %swap3A_371 = vector.shape_cast %swap3A_370 : vector<1x1x16xf32> to vector<16xf32>
          %swap3A_372 = vector.shape_cast %mul3A_365 : vector<16xf32> to vector<1x1x16xf32>
          tpu.vector_store %arg5[%swap3A_367, %swap3A_368, %swap3A_369], %swap3A_372 {strides = array<i32>} : memref<2x48x512xf32, #tpu.memory_space<vmem>>, vector<1x1x16xf32>,
          %get3A_373 = arith.constant 0 : i32
          %get3A_374 = arith.index_cast %get3A_373 : i32 to index
          %get3A_375 = arith.index_cast %scan3A_135 : i32 to index
          %get3A_376 = arith.constant 272 : index
          %get3A_377 = tpu.vector_load %arg5[%get3A_374, %get3A_375, %get3A_376] {strides = array<i32>} : memref<2x48x512xf32, #tpu.memory_space<vmem>>, vector<1x1x16xf32>,
          %get3A_378 = vector.shape_cast %get3A_377 : vector<1x1x16xf32> to vector<16xf32>
          %mul3A_379 = arith.mulf %get3A_378, %get3A_129 : vector<16xf32>
          %swap3A_380 = arith.constant 0 : i32
          %swap3A_381 = arith.index_cast %swap3A_380 : i32 to index
          %swap3A_382 = arith.index_cast %scan3A_135 : i32 to index
          %swap3A_383 = arith.constant 272 : index
          %swap3A_384 = tpu.vector_load %arg5[%swap3A_381, %swap3A_382, %swap3A_383] {strides = array<i32>} : memref<2x48x512xf32, #tpu.memory_space<vmem>>, vector<1x1x16xf32>,
          %swap3A_385 = vector.shape_cast %swap3A_384 : vector<1x1x16xf32> to vector<16xf32>
          %swap3A_386 = vector.shape_cast %mul3A_379 : vector<16xf32> to vector<1x1x16xf32>
          tpu.vector_store %arg5[%swap3A_381, %swap3A_382, %swap3A_383], %swap3A_386 {strides = array<i32>} : memref<2x48x512xf32, #tpu.memory_space<vmem>>, vector<1x1x16xf32>,
          %get3A_387 = arith.constant 0 : i32
          %get3A_388 = arith.index_cast %get3A_387 : i32 to index
          %get3A_389 = arith.index_cast %scan3A_135 : i32 to index
          %get3A_390 = arith.constant 288 : index
          %get3A_391 = tpu.vector_load %arg5[%get3A_388, %get3A_389, %get3A_390] {strides = array<i32>} : memref<2x48x512xf32, #tpu.memory_space<vmem>>, vector<1x1x16xf32>,
          %get3A_392 = vector.shape_cast %get3A_391 : vector<1x1x16xf32> to vector<16xf32>
          %mul3A_393 = arith.mulf %get3A_392, %get3A_129 : vector<16xf32>
          %swap3A_394 = arith.constant 0 : i32
          %swap3A_395 = arith.index_cast %swap3A_394 : i32 to index
          %swap3A_396 = arith.index_cast %scan3A_135 : i32 to index
          %swap3A_397 = arith.constant 288 : index
          %swap3A_398 = tpu.vector_load %arg5[%swap3A_395, %swap3A_396, %swap3A_397] {strides = array<i32>} : memref<2x48x512xf32, #tpu.memory_space<vmem>>, vector<1x1x16xf32>,
          %swap3A_399 = vector.shape_cast %swap3A_398 : vector<1x1x16xf32> to vector<16xf32>
          %swap3A_400 = vector.shape_cast %mul3A_393 : vector<16xf32> to vector<1x1x16xf32>
          tpu.vector_store %arg5[%swap3A_395, %swap3A_396, %swap3A_397], %swap3A_400 {strides = array<i32>} : memref<2x48x512xf32, #tpu.memory_space<vmem>>, vector<1x1x16xf32>,
          %get3A_401 = arith.constant 0 : i32
          %get3A_402 = arith.index_cast %get3A_401 : i32 to index
          %get3A_403 = arith.index_cast %scan3A_135 : i32 to index
          %get3A_404 = arith.constant 304 : index
          %get3A_405 = tpu.vector_load %arg5[%get3A_402, %get3A_403, %get3A_404] {strides = array<i32>} : memref<2x48x512xf32, #tpu.memory_space<vmem>>, vector<1x1x16xf32>,
          %get3A_406 = vector.shape_cast %get3A_405 : vector<1x1x16xf32> to vector<16xf32>
          %mul3A_407 = arith.mulf %get3A_406, %get3A_129 : vector<16xf32>
          %swap3A_408 = arith.constant 0 : i32
          %swap3A_409 = arith.index_cast %swap3A_408 : i32 to index
          %swap3A_410 = arith.index_cast %scan3A_135 : i32 to index
          %swap3A_411 = arith.constant 304 : index
          %swap3A_412 = tpu.vector_load %arg5[%swap3A_409, %swap3A_410, %swap3A_411] {strides = array<i32>} : memref<2x48x512xf32, #tpu.memory_space<vmem>>, vector<1x1x16xf32>,
          %swap3A_413 = vector.shape_cast %swap3A_412 : vector<1x1x16xf32> to vector<16xf32>
          %swap3A_414 = vector.shape_cast %mul3A_407 : vector<16xf32> to vector<1x1x16xf32>
          tpu.vector_store %arg5[%swap3A_409, %swap3A_410, %swap3A_411], %swap3A_414 {strides = array<i32>} : memref<2x48x512xf32, #tpu.memory_space<vmem>>, vector<1x1x16xf32>,
          %get3A_415 = arith.constant 0 : i32
          %get3A_416 = arith.index_cast %get3A_415 : i32 to index
          %get3A_417 = arith.index_cast %scan3A_135 : i32 to index
          %get3A_418 = arith.constant 320 : index
          %get3A_419 = tpu.vector_load %arg5[%get3A_416, %get3A_417, %get3A_418] {strides = array<i32>} : memref<2x48x512xf32, #tpu.memory_space<vmem>>, vector<1x1x16xf32>,
          %get3A_420 = vector.shape_cast %get3A_419 : vector<1x1x16xf32> to vector<16xf32>
          %mul3A_421 = arith.mulf %get3A_420, %get3A_129 : vector<16xf32>
          %swap3A_422 = arith.constant 0 : i32
          %swap3A_423 = arith.index_cast %swap3A_422 : i32 to index
          %swap3A_424 = arith.index_cast %scan3A_135 : i32 to index
          %swap3A_425 = arith.constant 320 : index
          %swap3A_426 = tpu.vector_load %arg5[%swap3A_423, %swap3A_424, %swap3A_425] {strides = array<i32>} : memref<2x48x512xf32, #tpu.memory_space<vmem>>, vector<1x1x16xf32>,
          %swap3A_427 = vector.shape_cast %swap3A_426 : vector<1x1x16xf32> to vector<16xf32>
          %swap3A_428 = vector.shape_cast %mul3A_421 : vector<16xf32> to vector<1x1x16xf32>
          tpu.vector_store %arg5[%swap3A_423, %swap3A_424, %swap3A_425], %swap3A_428 {strides = array<i32>} : memref<2x48x512xf32, #tpu.memory_space<vmem>>, vector<1x1x16xf32>,
          %get3A_429 = arith.constant 0 : i32
          %get3A_430 = arith.index_cast %get3A_429 : i32 to index
          %get3A_431 = arith.index_cast %scan3A_135 : i32 to index
          %get3A_432 = arith.constant 336 : index
          %get3A_433 = tpu.vector_load %arg5[%get3A_430, %get3A_431, %get3A_432] {strides = array<i32>} : memref<2x48x512xf32, #tpu.memory_space<vmem>>, vector<1x1x16xf32>,
          %get3A_434 = vector.shape_cast %get3A_433 : vector<1x1x16xf32> to vector<16xf32>
          %mul3A_435 = arith.mulf %get3A_434, %get3A_129 : vector<16xf32>
          %swap3A_436 = arith.constant 0 : i32
          %swap3A_437 = arith.index_cast %swap3A_436 : i32 to index
          %swap3A_438 = arith.index_cast %scan3A_135 : i32 to index
          %swap3A_439 = arith.constant 336 : index
          %swap3A_440 = tpu.vector_load %arg5[%swap3A_437, %swap3A_438, %swap3A_439] {strides = array<i32>} : memref<2x48x512xf32, #tpu.memory_space<vmem>>, vector<1x1x16xf32>,
          %swap3A_441 = vector.shape_cast %swap3A_440 : vector<1x1x16xf32> to vector<16xf32>
          %swap3A_442 = vector.shape_cast %mul3A_435 : vector<16xf32> to vector<1x1x16xf32>
          tpu.vector_store %arg5[%swap3A_437, %swap3A_438, %swap3A_439], %swap3A_442 {strides = array<i32>} : memref<2x48x512xf32, #tpu.memory_space<vmem>>, vector<1x1x16xf32>,
          %get3A_443 = arith.constant 0 : i32
          %get3A_444 = arith.index_cast %get3A_443 : i32 to index
          %get3A_445 = arith.index_cast %scan3A_135 : i32 to index
          %get3A_446 = arith.constant 352 : index
          %get3A_447 = tpu.vector_load %arg5[%get3A_444, %get3A_445, %get3A_446] {strides = array<i32>} : memref<2x48x512xf32, #tpu.memory_space<vmem>>, vector<1x1x16xf32>,
          %get3A_448 = vector.shape_cast %get3A_447 : vector<1x1x16xf32> to vector<16xf32>
          %mul3A_449 = arith.mulf %get3A_448, %get3A_129 : vector<16xf32>
          %swap3A_450 = arith.constant 0 : i32
          %swap3A_451 = arith.index_cast %swap3A_450 : i32 to index
          %swap3A_452 = arith.index_cast %scan3A_135 : i32 to index
          %swap3A_453 = arith.constant 352 : index
          %swap3A_454 = tpu.vector_load %arg5[%swap3A_451, %swap3A_452, %swap3A_453] {strides = array<i32>} : memref<2x48x512xf32, #tpu.memory_space<vmem>>, vector<1x1x16xf32>,
          %swap3A_455 = vector.shape_cast %swap3A_454 : vector<1x1x16xf32> to vector<16xf32>
          %swap3A_456 = vector.shape_cast %mul3A_449 : vector<16xf32> to vector<1x1x16xf32>
          tpu.vector_store %arg5[%swap3A_451, %swap3A_452, %swap3A_453], %swap3A_456 {strides = array<i32>} : memref<2x48x512xf32, #tpu.memory_space<vmem>>, vector<1x1x16xf32>,
          %get3A_457 = arith.constant 0 : i32
          %get3A_458 = arith.index_cast %get3A_457 : i32 to index
          %get3A_459 = arith.index_cast %scan3A_135 : i32 to index
          %get3A_460 = arith.constant 368 : index
          %get3A_461 = tpu.vector_load %arg5[%get3A_458, %get3A_459, %get3A_460] {strides = array<i32>} : memref<2x48x512xf32, #tpu.memory_space<vmem>>, vector<1x1x16xf32>,
          %get3A_462 = vector.shape_cast %get3A_461 : vector<1x1x16xf32> to vector<16xf32>
          %mul3A_463 = arith.mulf %get3A_462, %get3A_129 : vector<16xf32>
          %swap3A_464 = arith.constant 0 : i32
          %swap3A_465 = arith.index_cast %swap3A_464 : i32 to index
          %swap3A_466 = arith.index_cast %scan3A_135 : i32 to index
          %swap3A_467 = arith.constant 368 : index
          %swap3A_468 = tpu.vector_load %arg5[%swap3A_465, %swap3A_466, %swap3A_467] {strides = array<i32>} : memref<2x48x512xf32, #tpu.memory_space<vmem>>, vector<1x1x16xf32>,
          %swap3A_469 = vector.shape_cast %swap3A_468 : vector<1x1x16xf32> to vector<16xf32>
          %swap3A_470 = vector.shape_cast %mul3A_463 : vector<16xf32> to vector<1x1x16xf32>
          tpu.vector_store %arg5[%swap3A_465, %swap3A_466, %swap3A_467], %swap3A_470 {strides = array<i32>} : memref<2x48x512xf32, #tpu.memory_space<vmem>>, vector<1x1x16xf32>,
          %get3A_471 = arith.constant 0 : i32
          %get3A_472 = arith.index_cast %get3A_471 : i32 to index
          %get3A_473 = arith.index_cast %scan3A_135 : i32 to index
          %get3A_474 = arith.constant 384 : index
          %get3A_475 = tpu.vector_load %arg5[%get3A_472, %get3A_473, %get3A_474] {strides = array<i32>} : memref<2x48x512xf32, #tpu.memory_space<vmem>>, vector<1x1x16xf32>,
          %get3A_476 = vector.shape_cast %get3A_475 : vector<1x1x16xf32> to vector<16xf32>
          %mul3A_477 = arith.mulf %get3A_476, %get3A_129 : vector<16xf32>
          %swap3A_478 = arith.constant 0 : i32
          %swap3A_479 = arith.index_cast %swap3A_478 : i32 to index
          %swap3A_480 = arith.index_cast %scan3A_135 : i32 to index
          %swap3A_481 = arith.constant 384 : index
          %swap3A_482 = tpu.vector_load %arg5[%swap3A_479, %swap3A_480, %swap3A_481] {strides = array<i32>} : memref<2x48x512xf32, #tpu.memory_space<vmem>>, vector<1x1x16xf32>,
          %swap3A_483 = vector.shape_cast %swap3A_482 : vector<1x1x16xf32> to vector<16xf32>
          %swap3A_484 = vector.shape_cast %mul3A_477 : vector<16xf32> to vector<1x1x16xf32>
          tpu.vector_store %arg5[%swap3A_479, %swap3A_480, %swap3A_481], %swap3A_484 {strides = array<i32>} : memref<2x48x512xf32, #tpu.memory_space<vmem>>, vector<1x1x16xf32>,
          %get3A_485 = arith.constant 0 : i32
          %get3A_486 = arith.index_cast %get3A_485 : i32 to index
          %get3A_487 = arith.index_cast %scan3A_135 : i32 to index
          %get3A_488 = arith.constant 400 : index
          %get3A_489 = tpu.vector_load %arg5[%get3A_486, %get3A_487, %get3A_488] {strides = array<i32>} : memref<2x48x512xf32, #tpu.memory_space<vmem>>, vector<1x1x16xf32>,
          %get3A_490 = vector.shape_cast %get3A_489 : vector<1x1x16xf32> to vector<16xf32>
          %mul3A_491 = arith.mulf %get3A_490, %get3A_129 : vector<16xf32>
          %swap3A_492 = arith.constant 0 : i32
          %swap3A_493 = arith.index_cast %swap3A_492 : i32 to index
          %swap3A_494 = arith.index_cast %scan3A_135 : i32 to index
          %swap3A_495 = arith.constant 400 : index
          %swap3A_496 = tpu.vector_load %arg5[%swap3A_493, %swap3A_494, %swap3A_495] {strides = array<i32>} : memref<2x48x512xf32, #tpu.memory_space<vmem>>, vector<1x1x16xf32>,
          %swap3A_497 = vector.shape_cast %swap3A_496 : vector<1x1x16xf32> to vector<16xf32>
          %swap3A_498 = vector.shape_cast %mul3A_491 : vector<16xf32> to vector<1x1x16xf32>
          tpu.vector_store %arg5[%swap3A_493, %swap3A_494, %swap3A_495], %swap3A_498 {strides = array<i32>} : memref<2x48x512xf32, #tpu.memory_space<vmem>>, vector<1x1x16xf32>,
          %get3A_499 = arith.constant 0 : i32
          %get3A_500 = arith.index_cast %get3A_499 : i32 to index
          %get3A_501 = arith.index_cast %scan3A_135 : i32 to index
          %get3A_502 = arith.constant 416 : index
          %get3A_503 = tpu.vector_load %arg5[%get3A_500, %get3A_501, %get3A_502] {strides = array<i32>} : memref<2x48x512xf32, #tpu.memory_space<vmem>>, vector<1x1x16xf32>,
          %get3A_504 = vector.shape_cast %get3A_503 : vector<1x1x16xf32> to vector<16xf32>
          %mul3A_505 = arith.mulf %get3A_504, %get3A_129 : vector<16xf32>
          %swap3A_506 = arith.constant 0 : i32
          %swap3A_507 = arith.index_cast %swap3A_506 : i32 to index
          %swap3A_508 = arith.index_cast %scan3A_135 : i32 to index
          %swap3A_509 = arith.constant 416 : index
          %swap3A_510 = tpu.vector_load %arg5[%swap3A_507, %swap3A_508, %swap3A_509] {strides = array<i32>} : memref<2x48x512xf32, #tpu.memory_space<vmem>>, vector<1x1x16xf32>,
          %swap3A_511 = vector.shape_cast %swap3A_510 : vector<1x1x16xf32> to vector<16xf32>
          %swap3A_512 = vector.shape_cast %mul3A_505 : vector<16xf32> to vector<1x1x16xf32>
          tpu.vector_store %arg5[%swap3A_507, %swap3A_508, %swap3A_509], %swap3A_512 {strides = array<i32>} : memref<2x48x512xf32, #tpu.memory_space<vmem>>, vector<1x1x16xf32>,
          %get3A_513 = arith.constant 0 : i32
          %get3A_514 = arith.index_cast %get3A_513 : i32 to index
          %get3A_515 = arith.index_cast %scan3A_135 : i32 to index
          %get3A_516 = arith.constant 432 : index
          %get3A_517 = tpu.vector_load %arg5[%get3A_514, %get3A_515, %get3A_516] {strides = array<i32>} : memref<2x48x512xf32, #tpu.memory_space<vmem>>, vector<1x1x16xf32>,
          %get3A_518 = vector.shape_cast %get3A_517 : vector<1x1x16xf32> to vector<16xf32>
          %mul3A_519 = arith.mulf %get3A_518, %get3A_129 : vector<16xf32>
          %swap3A_520 = arith.constant 0 : i32
          %swap3A_521 = arith.index_cast %swap3A_520 : i32 to index
          %swap3A_522 = arith.index_cast %scan3A_135 : i32 to index
          %swap3A_523 = arith.constant 432 : index
          %swap3A_524 = tpu.vector_load %arg5[%swap3A_521, %swap3A_522, %swap3A_523] {strides = array<i32>} : memref<2x48x512xf32, #tpu.memory_space<vmem>>, vector<1x1x16xf32>,
          %swap3A_525 = vector.shape_cast %swap3A_524 : vector<1x1x16xf32> to vector<16xf32>
          %swap3A_526 = vector.shape_cast %mul3A_519 : vector<16xf32> to vector<1x1x16xf32>
          tpu.vector_store %arg5[%swap3A_521, %swap3A_522, %swap3A_523], %swap3A_526 {strides = array<i32>} : memref<2x48x512xf32, #tpu.memory_space<vmem>>, vector<1x1x16xf32>,
          %get3A_527 = arith.constant 0 : i32
          %get3A_528 = arith.index_cast %get3A_527 : i32 to index
          %get3A_529 = arith.index_cast %scan3A_135 : i32 to index
          %get3A_530 = arith.constant 448 : index
          %get3A_531 = tpu.vector_load %arg5[%get3A_528, %get3A_529, %get3A_530] {strides = array<i32>} : memref<2x48x512xf32, #tpu.memory_space<vmem>>, vector<1x1x16xf32>,
          %get3A_532 = vector.shape_cast %get3A_531 : vector<1x1x16xf32> to vector<16xf32>
          %mul3A_533 = arith.mulf %get3A_532, %get3A_129 : vector<16xf32>
          %swap3A_534 = arith.constant 0 : i32
          %swap3A_535 = arith.index_cast %swap3A_534 : i32 to index
          %swap3A_536 = arith.index_cast %scan3A_135 : i32 to index
          %swap3A_537 = arith.constant 448 : index
          %swap3A_538 = tpu.vector_load %arg5[%swap3A_535, %swap3A_536, %swap3A_537] {strides = array<i32>} : memref<2x48x512xf32, #tpu.memory_space<vmem>>, vector<1x1x16xf32>,
          %swap3A_539 = vector.shape_cast %swap3A_538 : vector<1x1x16xf32> to vector<16xf32>
          %swap3A_540 = vector.shape_cast %mul3A_533 : vector<16xf32> to vector<1x1x16xf32>
          tpu.vector_store %arg5[%swap3A_535, %swap3A_536, %swap3A_537], %swap3A_540 {strides = array<i32>} : memref<2x48x512xf32, #tpu.memory_space<vmem>>, vector<1x1x16xf32>,
          %get3A_541 = arith.constant 0 : i32
          %get3A_542 = arith.index_cast %get3A_541 : i32 to index
          %get3A_543 = arith.index_cast %scan3A_135 : i32 to index
          %get3A_544 = arith.constant 464 : index
          %get3A_545 = tpu.vector_load %arg5[%get3A_542, %get3A_543, %get3A_544] {strides = array<i32>} : memref<2x48x512xf32, #tpu.memory_space<vmem>>, vector<1x1x16xf32>,
          %get3A_546 = vector.shape_cast %get3A_545 : vector<1x1x16xf32> to vector<16xf32>
          %mul3A_547 = arith.mulf %get3A_546, %get3A_129 : vector<16xf32>
          %swap3A_548 = arith.constant 0 : i32
          %swap3A_549 = arith.index_cast %swap3A_548 : i32 to index
          %swap3A_550 = arith.index_cast %scan3A_135 : i32 to index
          %swap3A_551 = arith.constant 464 : index
          %swap3A_552 = tpu.vector_load %arg5[%swap3A_549, %swap3A_550, %swap3A_551] {strides = array<i32>} : memref<2x48x512xf32, #tpu.memory_space<vmem>>, vector<1x1x16xf32>,
          %swap3A_553 = vector.shape_cast %swap3A_552 : vector<1x1x16xf32> to vector<16xf32>
          %swap3A_554 = vector.shape_cast %mul3A_547 : vector<16xf32> to vector<1x1x16xf32>
          tpu.vector_store %arg5[%swap3A_549, %swap3A_550, %swap3A_551], %swap3A_554 {strides = array<i32>} : memref<2x48x512xf32, #tpu.memory_space<vmem>>, vector<1x1x16xf32>,
          %get3A_555 = arith.constant 0 : i32
          %get3A_556 = arith.index_cast %get3A_555 : i32 to index
          %get3A_557 = arith.index_cast %scan3A_135 : i32 to index
          %get3A_558 = arith.constant 480 : index
          %get3A_559 = tpu.vector_load %arg5[%get3A_556, %get3A_557, %get3A_558] {strides = array<i32>} : memref<2x48x512xf32, #tpu.memory_space<vmem>>, vector<1x1x16xf32>,
          %get3A_560 = vector.shape_cast %get3A_559 : vector<1x1x16xf32> to vector<16xf32>
          %mul3A_561 = arith.mulf %get3A_560, %get3A_129 : vector<16xf32>
          %swap3A_562 = arith.constant 0 : i32
          %swap3A_563 = arith.index_cast %swap3A_562 : i32 to index
          %swap3A_564 = arith.index_cast %scan3A_135 : i32 to index
          %swap3A_565 = arith.constant 480 : index
          %swap3A_566 = tpu.vector_load %arg5[%swap3A_563, %swap3A_564, %swap3A_565] {strides = array<i32>} : memref<2x48x512xf32, #tpu.memory_space<vmem>>, vector<1x1x16xf32>,
          %swap3A_567 = vector.shape_cast %swap3A_566 : vector<1x1x16xf32> to vector<16xf32>
          %swap3A_568 = vector.shape_cast %mul3A_561 : vector<16xf32> to vector<1x1x16xf32>
          tpu.vector_store %arg5[%swap3A_563, %swap3A_564, %swap3A_565], %swap3A_568 {strides = array<i32>} : memref<2x48x512xf32, #tpu.memory_space<vmem>>, vector<1x1x16xf32>,
          %get3A_569 = arith.constant 0 : i32
          %get3A_570 = arith.index_cast %get3A_569 : i32 to index
          %get3A_571 = arith.index_cast %scan3A_135 : i32 to index
          %get3A_572 = arith.constant 496 : index
          %get3A_573 = tpu.vector_load %arg5[%get3A_570, %get3A_571, %get3A_572] {strides = array<i32>} : memref<2x48x512xf32, #tpu.memory_space<vmem>>, vector<1x1x16xf32>,
          %get3A_574 = vector.shape_cast %get3A_573 : vector<1x1x16xf32> to vector<16xf32>
          %mul3A_575 = arith.mulf %get3A_574, %get3A_129 : vector<16xf32>
          %swap3A_576 = arith.constant 0 : i32
          %swap3A_577 = arith.index_cast %swap3A_576 : i32 to index
          %swap3A_578 = arith.index_cast %scan3A_135 : i32 to index
          %swap3A_579 = arith.constant 496 : index
          %swap3A_580 = tpu.vector_load %arg5[%swap3A_577, %swap3A_578, %swap3A_579] {strides = array<i32>} : memref<2x48x512xf32, #tpu.memory_space<vmem>>, vector<1x1x16xf32>,
          %swap3A_581 = vector.shape_cast %swap3A_580 : vector<1x1x16xf32> to vector<16xf32>
          %swap3A_582 = vector.shape_cast %mul3A_575 : vector<16xf32> to vector<1x1x16xf32>
          tpu.vector_store %arg5[%swap3A_577, %swap3A_578, %swap3A_579], %swap3A_582 {strides = array<i32>} : memref<2x48x512xf32, #tpu.memory_space<vmem>>, vector<1x1x16xf32>,
        }
        %scan3A_134 = arith.constant 10 : i32
      } else {
      }
      %add3A_54 = arith.constant 0 : i32
      %add3A_55 = arith.addi %multiple_of3A, %add3A_54 : i32
      %dma_start3A_56 = arith.constant 0 : i32
      %dma_start3A_57 = arith.constant 0 : i32
      %dma_start3A_58 = arith.constant 0 : i32
      %dma_start3A_59 = tpu.memref_slice %arg5[%dma_start3A_56, %dma_start3A_57, %dma_start3A_58] : memref<2x48x512xf32, #tpu.memory_space<vmem>> -> memref<1x48x512xf32, #tpu.memory_space<vmem>>
      %dma_start3A_60 = tpu.memref_squeeze %dma_start3A_59 : memref<1x48x512xf32, #tpu.memory_space<vmem>> -> memref<48x512xf32, #tpu.memory_space<vmem>>
      %dma_start3A_61 = arith.constant 0 : i32
      %dma_start3A_62 = tpu.memref_slice %arg4[%add3A_55, %dma_start3A_61] : memref<3000x512xf32, #tpu.memory_space<hbm>> -> memref<48x512xf32, #tpu.memory_space<hbm>>
      %dma_start3A_63 = arith.constant 0 : i32
      %dma_start3A_64 = tpu.memref_slice %arg4[%add3A_55, %dma_start3A_63] : memref<3000x512xf32, #tpu.memory_space<hbm>> -> memref<48x512xf32, #tpu.memory_space<hbm>>
      %dma_start3A_65 = arith.constant 0 : i32
      %dma_start3A_66 = arith.constant 0 : i32
      %dma_start3A_67 = tpu.memref_slice %arg5[%dma_start3A_56, %dma_start3A_65, %dma_start3A_66] : memref<2x48x512xf32, #tpu.memory_space<vmem>> -> memref<1x48x512xf32, #tpu.memory_space<vmem>>
      %dma_start3A_68 = tpu.memref_squeeze %dma_start3A_67 : memref<1x48x512xf32, #tpu.memory_space<vmem>> -> memref<48x512xf32, #tpu.memory_space<vmem>>
      tpu.enqueue_dma source(%dma_start3A_68 : memref<48x512xf32, #tpu.memory_space<vmem>>) target(%dma_start3A_64 : memref<48x512xf32, #tpu.memory_space<hbm>>) target_semaphore(%arg9 : memref<!tpu.dma_semaphore, #tpu.memory_space<semaphore_mem>>)
      %dma_wait3A_69 = arith.constant 1 : i32
      %dma_wait3A_70 = arith.constant 0 : i32
      %dma_wait3A_71 = arith.constant 0 : i32
      %dma_wait3A_72 = tpu.memref_slice %arg5[%dma_wait3A_69, %dma_wait3A_70, %dma_wait3A_71] : memref<2x48x512xf32, #tpu.memory_space<vmem>> -> memref<1x48x512xf32, #tpu.memory_space<vmem>>
      %dma_wait3A_73 = tpu.memref_squeeze %dma_wait3A_72 : memref<1x48x512xf32, #tpu.memory_space<vmem>> -> memref<48x512xf32, #tpu.memory_space<vmem>>
      %dma_wait3A_74 = arith.constant 0 : i32
      %dma_wait3A_75 = tpu.memref_slice %arg2[%add3A_24, %dma_wait3A_74] : memref<3000x512xf32, #tpu.memory_space<hbm>> -> memref<48x512xf32, #tpu.memory_space<hbm>>
      %dma_wait3A_76 = arith.constant 0 : i32
      %dma_wait3A_77 = arith.constant 0 : i32
      %dma_wait3A_78 = tpu.memref_slice %arg5[%dma_wait3A_69, %dma_wait3A_76, %dma_wait3A_77] : memref<2x48x512xf32, #tpu.memory_space<vmem>> -> memref<1x48x512xf32, #tpu.memory_space<vmem>>
      %dma_wait3A_79 = tpu.memref_squeeze %dma_wait3A_78 : memref<1x48x512xf32, #tpu.memory_space<vmem>> -> memref<48x512xf32, #tpu.memory_space<vmem>>
      %dma_wait3A_80 = arith.constant 0 : i32
      %dma_wait3A_81 = tpu.memref_slice %arg2[%add3A_24, %dma_wait3A_80] : memref<3000x512xf32, #tpu.memory_space<hbm>> -> memref<48x512xf32, #tpu.memory_space<hbm>>
      tpu.wait_dma2 semaphore(%arg8 : memref<!tpu.dma_semaphore, #tpu.memory_space<semaphore_mem>>) src(%dma_wait3A_81 : memref<48x512xf32, #tpu.memory_space<hbm>>) dst(%dma_wait3A_79 : memref<48x512xf32, #tpu.memory_space<vmem>>)
      %eq3A_82 = arith.constant 21 : i32
      %eq3A_83 = arith.cmpi eq, %add3A, %eq3A_82 : i32
      %convert_element_type3A_84 = arith.extui %eq3A_83 : i1 to i32
      %cond3A_85 = arith.constant 0 : i32
      %cond3A_86 = arith.cmpi ne, %convert_element_type3A_84, %cond3A_85 : i32
      scf.if %cond3A_86 {
        "tpu.region"() ({
          %run_scoped3A = tpu.sem_alloc : memref<!tpu.dma_semaphore, #tpu.memory_space<semaphore_mem>>
          tpu.enqueue_dma source(%arg3 : memref<16xf32, #tpu.memory_space<hbm>>) target(%arg6 : memref<16xf32, #tpu.memory_space<vmem>>) target_semaphore(%run_scoped3A : memref<!tpu.dma_semaphore, #tpu.memory_space<semaphore_mem>>)
          tpu.wait_dma2 semaphore(%run_scoped3A : memref<!tpu.dma_semaphore, #tpu.memory_space<semaphore_mem>>) src(%arg3 : memref<16xf32, #tpu.memory_space<hbm>>) dst(%arg6 : memref<16xf32, #tpu.memory_space<vmem>>)
          tpu.yield
        }) : () -> ()
        %get3A = arith.constant 0 : index
        %get3A_128 = tpu.vector_load %arg6[%get3A] {strides = array<i32>} : memref<16xf32, #tpu.memory_space<vmem>>, vector<16xf32>,
        %get3A_129 = vector.shape_cast %get3A_128 : vector<16xf32> to vector<16xf32>
        %scan3A = arith.constant 0 : i32
        %scan3A_130 = arith.constant 1 : i32
        %scan3A_131 = arith.constant 20 : i32
        %scan3A_132 = arith.addi %scan3A_130, %scan3A_131 : i32
        %scan3A_133 = arith.constant 1 : i32
        scf.for %scan3A_135 = %scan3A_130 to %scan3A_132 step %scan3A_133  : i32 {
          %get3A_136 = arith.constant 1 : i32
          %get3A_137 = arith.index_cast %get3A_136 : i32 to index
          %get3A_138 = arith.index_cast %scan3A_135 : i32 to index
          %get3A_139 = arith.constant 0 : index
          %get3A_140 = tpu.vector_load %arg5[%get3A_137, %get3A_138, %get3A_139] {strides = array<i32>} : memref<2x48x512xf32, #tpu.memory_space<vmem>>, vector<1x1x16xf32>,
          %get3A_141 = vector.shape_cast %get3A_140 : vector<1x1x16xf32> to vector<16xf32>
          %mul3A_142 = arith.mulf %get3A_141, %get3A_129 : vector<16xf32>
          %swap3A = arith.constant 1 : i32
          %swap3A_143 = arith.index_cast %swap3A : i32 to index
          %swap3A_144 = arith.index_cast %scan3A_135 : i32 to index
          %swap3A_145 = arith.constant 0 : index
          %swap3A_146 = tpu.vector_load %arg5[%swap3A_143, %swap3A_144, %swap3A_145] {strides = array<i32>} : memref<2x48x512xf32, #tpu.memory_space<vmem>>, vector<1x1x16xf32>,
          %swap3A_147 = vector.shape_cast %swap3A_146 : vector<1x1x16xf32> to vector<16xf32>
          %swap3A_148 = vector.shape_cast %mul3A_142 : vector<16xf32> to vector<1x1x16xf32>
          tpu.vector_store %arg5[%swap3A_143, %swap3A_144, %swap3A_145], %swap3A_148 {strides = array<i32>} : memref<2x48x512xf32, #tpu.memory_space<vmem>>, vector<1x1x16xf32>,
          %get3A_149 = arith.constant 1 : i32
          %get3A_150 = arith.index_cast %get3A_149 : i32 to index
          %get3A_151 = arith.index_cast %scan3A_135 : i32 to index
          %get3A_152 = arith.constant 16 : index
          %get3A_153 = tpu.vector_load %arg5[%get3A_150, %get3A_151, %get3A_152] {strides = array<i32>} : memref<2x48x512xf32, #tpu.memory_space<vmem>>, vector<1x1x16xf32>,
          %get3A_154 = vector.shape_cast %get3A_153 : vector<1x1x16xf32> to vector<16xf32>
          %mul3A_155 = arith.mulf %get3A_154, %get3A_129 : vector<16xf32>
          %swap3A_156 = arith.constant 1 : i32
          %swap3A_157 = arith.index_cast %swap3A_156 : i32 to index
          %swap3A_158 = arith.index_cast %scan3A_135 : i32 to index
          %swap3A_159 = arith.constant 16 : index
          %swap3A_160 = tpu.vector_load %arg5[%swap3A_157, %swap3A_158, %swap3A_159] {strides = array<i32>} : memref<2x48x512xf32, #tpu.memory_space<vmem>>, vector<1x1x16xf32>,
          %swap3A_161 = vector.shape_cast %swap3A_160 : vector<1x1x16xf32> to vector<16xf32>
          %swap3A_162 = vector.shape_cast %mul3A_155 : vector<16xf32> to vector<1x1x16xf32>
          tpu.vector_store %arg5[%swap3A_157, %swap3A_158, %swap3A_159], %swap3A_162 {strides = array<i32>} : memref<2x48x512xf32, #tpu.memory_space<vmem>>, vector<1x1x16xf32>,
          %get3A_163 = arith.constant 1 : i32
          %get3A_164 = arith.index_cast %get3A_163 : i32 to index
          %get3A_165 = arith.index_cast %scan3A_135 : i32 to index
          %get3A_166 = arith.constant 32 : index
          %get3A_167 = tpu.vector_load %arg5[%get3A_164, %get3A_165, %get3A_166] {strides = array<i32>} : memref<2x48x512xf32, #tpu.memory_space<vmem>>, vector<1x1x16xf32>,
          %get3A_168 = vector.shape_cast %get3A_167 : vector<1x1x16xf32> to vector<16xf32>
          %mul3A_169 = arith.mulf %get3A_168, %get3A_129 : vector<16xf32>
          %swap3A_170 = arith.constant 1 : i32
          %swap3A_171 = arith.index_cast %swap3A_170 : i32 to index
          %swap3A_172 = arith.index_cast %scan3A_135 : i32 to index
          %swap3A_173 = arith.constant 32 : index
          %swap3A_174 = tpu.vector_load %arg5[%swap3A_171, %swap3A_172, %swap3A_173] {strides = array<i32>} : memref<2x48x512xf32, #tpu.memory_space<vmem>>, vector<1x1x16xf32>,
          %swap3A_175 = vector.shape_cast %swap3A_174 : vector<1x1x16xf32> to vector<16xf32>
          %swap3A_176 = vector.shape_cast %mul3A_169 : vector<16xf32> to vector<1x1x16xf32>
          tpu.vector_store %arg5[%swap3A_171, %swap3A_172, %swap3A_173], %swap3A_176 {strides = array<i32>} : memref<2x48x512xf32, #tpu.memory_space<vmem>>, vector<1x1x16xf32>,
          %get3A_177 = arith.constant 1 : i32
          %get3A_178 = arith.index_cast %get3A_177 : i32 to index
          %get3A_179 = arith.index_cast %scan3A_135 : i32 to index
          %get3A_180 = arith.constant 48 : index
          %get3A_181 = tpu.vector_load %arg5[%get3A_178, %get3A_179, %get3A_180] {strides = array<i32>} : memref<2x48x512xf32, #tpu.memory_space<vmem>>, vector<1x1x16xf32>,
          %get3A_182 = vector.shape_cast %get3A_181 : vector<1x1x16xf32> to vector<16xf32>
          %mul3A_183 = arith.mulf %get3A_182, %get3A_129 : vector<16xf32>
          %swap3A_184 = arith.constant 1 : i32
          %swap3A_185 = arith.index_cast %swap3A_184 : i32 to index
          %swap3A_186 = arith.index_cast %scan3A_135 : i32 to index
          %swap3A_187 = arith.constant 48 : index
          %swap3A_188 = tpu.vector_load %arg5[%swap3A_185, %swap3A_186, %swap3A_187] {strides = array<i32>} : memref<2x48x512xf32, #tpu.memory_space<vmem>>, vector<1x1x16xf32>,
          %swap3A_189 = vector.shape_cast %swap3A_188 : vector<1x1x16xf32> to vector<16xf32>
          %swap3A_190 = vector.shape_cast %mul3A_183 : vector<16xf32> to vector<1x1x16xf32>
          tpu.vector_store %arg5[%swap3A_185, %swap3A_186, %swap3A_187], %swap3A_190 {strides = array<i32>} : memref<2x48x512xf32, #tpu.memory_space<vmem>>, vector<1x1x16xf32>,
          %get3A_191 = arith.constant 1 : i32
          %get3A_192 = arith.index_cast %get3A_191 : i32 to index
          %get3A_193 = arith.index_cast %scan3A_135 : i32 to index
          %get3A_194 = arith.constant 64 : index
          %get3A_195 = tpu.vector_load %arg5[%get3A_192, %get3A_193, %get3A_194] {strides = array<i32>} : memref<2x48x512xf32, #tpu.memory_space<vmem>>, vector<1x1x16xf32>,
          %get3A_196 = vector.shape_cast %get3A_195 : vector<1x1x16xf32> to vector<16xf32>
          %mul3A_197 = arith.mulf %get3A_196, %get3A_129 : vector<16xf32>
          %swap3A_198 = arith.constant 1 : i32
          %swap3A_199 = arith.index_cast %swap3A_198 : i32 to index
          %swap3A_200 = arith.index_cast %scan3A_135 : i32 to index
          %swap3A_201 = arith.constant 64 : index
          %swap3A_202 = tpu.vector_load %arg5[%swap3A_199, %swap3A_200, %swap3A_201] {strides = array<i32>} : memref<2x48x512xf32, #tpu.memory_space<vmem>>, vector<1x1x16xf32>,
          %swap3A_203 = vector.shape_cast %swap3A_202 : vector<1x1x16xf32> to vector<16xf32>
          %swap3A_204 = vector.shape_cast %mul3A_197 : vector<16xf32> to vector<1x1x16xf32>
          tpu.vector_store %arg5[%swap3A_199, %swap3A_200, %swap3A_201], %swap3A_204 {strides = array<i32>} : memref<2x48x512xf32, #tpu.memory_space<vmem>>, vector<1x1x16xf32>,
          %get3A_205 = arith.constant 1 : i32
          %get3A_206 = arith.index_cast %get3A_205 : i32 to index
          %get3A_207 = arith.index_cast %scan3A_135 : i32 to index
          %get3A_208 = arith.constant 80 : index
          %get3A_209 = tpu.vector_load %arg5[%get3A_206, %get3A_207, %get3A_208] {strides = array<i32>} : memref<2x48x512xf32, #tpu.memory_space<vmem>>, vector<1x1x16xf32>,
          %get3A_210 = vector.shape_cast %get3A_209 : vector<1x1x16xf32> to vector<16xf32>
          %mul3A_211 = arith.mulf %get3A_210, %get3A_129 : vector<16xf32>
          %swap3A_212 = arith.constant 1 : i32
          %swap3A_213 = arith.index_cast %swap3A_212 : i32 to index
          %swap3A_214 = arith.index_cast %scan3A_135 : i32 to index
          %swap3A_215 = arith.constant 80 : index
          %swap3A_216 = tpu.vector_load %arg5[%swap3A_213, %swap3A_214, %swap3A_215] {strides = array<i32>} : memref<2x48x512xf32, #tpu.memory_space<vmem>>, vector<1x1x16xf32>,
          %swap3A_217 = vector.shape_cast %swap3A_216 : vector<1x1x16xf32> to vector<16xf32>
          %swap3A_218 = vector.shape_cast %mul3A_211 : vector<16xf32> to vector<1x1x16xf32>
          tpu.vector_store %arg5[%swap3A_213, %swap3A_214, %swap3A_215], %swap3A_218 {strides = array<i32>} : memref<2x48x512xf32, #tpu.memory_space<vmem>>, vector<1x1x16xf32>,
          %get3A_219 = arith.constant 1 : i32
          %get3A_220 = arith.index_cast %get3A_219 : i32 to index
          %get3A_221 = arith.index_cast %scan3A_135 : i32 to index
          %get3A_222 = arith.constant 96 : index
          %get3A_223 = tpu.vector_load %arg5[%get3A_220, %get3A_221, %get3A_222] {strides = array<i32>} : memref<2x48x512xf32, #tpu.memory_space<vmem>>, vector<1x1x16xf32>,
          %get3A_224 = vector.shape_cast %get3A_223 : vector<1x1x16xf32> to vector<16xf32>
          %mul3A_225 = arith.mulf %get3A_224, %get3A_129 : vector<16xf32>
          %swap3A_226 = arith.constant 1 : i32
          %swap3A_227 = arith.index_cast %swap3A_226 : i32 to index
          %swap3A_228 = arith.index_cast %scan3A_135 : i32 to index
          %swap3A_229 = arith.constant 96 : index
          %swap3A_230 = tpu.vector_load %arg5[%swap3A_227, %swap3A_228, %swap3A_229] {strides = array<i32>} : memref<2x48x512xf32, #tpu.memory_space<vmem>>, vector<1x1x16xf32>,
          %swap3A_231 = vector.shape_cast %swap3A_230 : vector<1x1x16xf32> to vector<16xf32>
          %swap3A_232 = vector.shape_cast %mul3A_225 : vector<16xf32> to vector<1x1x16xf32>
          tpu.vector_store %arg5[%swap3A_227, %swap3A_228, %swap3A_229], %swap3A_232 {strides = array<i32>} : memref<2x48x512xf32, #tpu.memory_space<vmem>>, vector<1x1x16xf32>,
          %get3A_233 = arith.constant 1 : i32
          %get3A_234 = arith.index_cast %get3A_233 : i32 to index
          %get3A_235 = arith.index_cast %scan3A_135 : i32 to index
          %get3A_236 = arith.constant 112 : index
          %get3A_237 = tpu.vector_load %arg5[%get3A_234, %get3A_235, %get3A_236] {strides = array<i32>} : memref<2x48x512xf32, #tpu.memory_space<vmem>>, vector<1x1x16xf32>,
          %get3A_238 = vector.shape_cast %get3A_237 : vector<1x1x16xf32> to vector<16xf32>
          %mul3A_239 = arith.mulf %get3A_238, %get3A_129 : vector<16xf32>
          %swap3A_240 = arith.constant 1 : i32
          %swap3A_241 = arith.index_cast %swap3A_240 : i32 to index
          %swap3A_242 = arith.index_cast %scan3A_135 : i32 to index
          %swap3A_243 = arith.constant 112 : index
          %swap3A_244 = tpu.vector_load %arg5[%swap3A_241, %swap3A_242, %swap3A_243] {strides = array<i32>} : memref<2x48x512xf32, #tpu.memory_space<vmem>>, vector<1x1x16xf32>,
          %swap3A_245 = vector.shape_cast %swap3A_244 : vector<1x1x16xf32> to vector<16xf32>
          %swap3A_246 = vector.shape_cast %mul3A_239 : vector<16xf32> to vector<1x1x16xf32>
          tpu.vector_store %arg5[%swap3A_241, %swap3A_242, %swap3A_243], %swap3A_246 {strides = array<i32>} : memref<2x48x512xf32, #tpu.memory_space<vmem>>, vector<1x1x16xf32>,
          %get3A_247 = arith.constant 1 : i32
          %get3A_248 = arith.index_cast %get3A_247 : i32 to index
          %get3A_249 = arith.index_cast %scan3A_135 : i32 to index
          %get3A_250 = arith.constant 128 : index
          %get3A_251 = tpu.vector_load %arg5[%get3A_248, %get3A_249, %get3A_250] {strides = array<i32>} : memref<2x48x512xf32, #tpu.memory_space<vmem>>, vector<1x1x16xf32>,
          %get3A_252 = vector.shape_cast %get3A_251 : vector<1x1x16xf32> to vector<16xf32>
          %mul3A_253 = arith.mulf %get3A_252, %get3A_129 : vector<16xf32>
          %swap3A_254 = arith.constant 1 : i32
          %swap3A_255 = arith.index_cast %swap3A_254 : i32 to index
          %swap3A_256 = arith.index_cast %scan3A_135 : i32 to index
          %swap3A_257 = arith.constant 128 : index
          %swap3A_258 = tpu.vector_load %arg5[%swap3A_255, %swap3A_256, %swap3A_257] {strides = array<i32>} : memref<2x48x512xf32, #tpu.memory_space<vmem>>, vector<1x1x16xf32>,
          %swap3A_259 = vector.shape_cast %swap3A_258 : vector<1x1x16xf32> to vector<16xf32>
          %swap3A_260 = vector.shape_cast %mul3A_253 : vector<16xf32> to vector<1x1x16xf32>
          tpu.vector_store %arg5[%swap3A_255, %swap3A_256, %swap3A_257], %swap3A_260 {strides = array<i32>} : memref<2x48x512xf32, #tpu.memory_space<vmem>>, vector<1x1x16xf32>,
          %get3A_261 = arith.constant 1 : i32
          %get3A_262 = arith.index_cast %get3A_261 : i32 to index
          %get3A_263 = arith.index_cast %scan3A_135 : i32 to index
          %get3A_264 = arith.constant 144 : index
          %get3A_265 = tpu.vector_load %arg5[%get3A_262, %get3A_263, %get3A_264] {strides = array<i32>} : memref<2x48x512xf32, #tpu.memory_space<vmem>>, vector<1x1x16xf32>,
          %get3A_266 = vector.shape_cast %get3A_265 : vector<1x1x16xf32> to vector<16xf32>
          %mul3A_267 = arith.mulf %get3A_266, %get3A_129 : vector<16xf32>
          %swap3A_268 = arith.constant 1 : i32
          %swap3A_269 = arith.index_cast %swap3A_268 : i32 to index
          %swap3A_270 = arith.index_cast %scan3A_135 : i32 to index
          %swap3A_271 = arith.constant 144 : index
          %swap3A_272 = tpu.vector_load %arg5[%swap3A_269, %swap3A_270, %swap3A_271] {strides = array<i32>} : memref<2x48x512xf32, #tpu.memory_space<vmem>>, vector<1x1x16xf32>,
          %swap3A_273 = vector.shape_cast %swap3A_272 : vector<1x1x16xf32> to vector<16xf32>
          %swap3A_274 = vector.shape_cast %mul3A_267 : vector<16xf32> to vector<1x1x16xf32>
          tpu.vector_store %arg5[%swap3A_269, %swap3A_270, %swap3A_271], %swap3A_274 {strides = array<i32>} : memref<2x48x512xf32, #tpu.memory_space<vmem>>, vector<1x1x16xf32>,
          %get3A_275 = arith.constant 1 : i32
          %get3A_276 = arith.index_cast %get3A_275 : i32 to index
          %get3A_277 = arith.index_cast %scan3A_135 : i32 to index
          %get3A_278 = arith.constant 160 : index
          %get3A_279 = tpu.vector_load %arg5[%get3A_276, %get3A_277, %get3A_278] {strides = array<i32>} : memref<2x48x512xf32, #tpu.memory_space<vmem>>, vector<1x1x16xf32>,
          %get3A_280 = vector.shape_cast %get3A_279 : vector<1x1x16xf32> to vector<16xf32>
          %mul3A_281 = arith.mulf %get3A_280, %get3A_129 : vector<16xf32>
          %swap3A_282 = arith.constant 1 : i32
          %swap3A_283 = arith.index_cast %swap3A_282 : i32 to index
          %swap3A_284 = arith.index_cast %scan3A_135 : i32 to index
          %swap3A_285 = arith.constant 160 : index
          %swap3A_286 = tpu.vector_load %arg5[%swap3A_283, %swap3A_284, %swap3A_285] {strides = array<i32>} : memref<2x48x512xf32, #tpu.memory_space<vmem>>, vector<1x1x16xf32>,
          %swap3A_287 = vector.shape_cast %swap3A_286 : vector<1x1x16xf32> to vector<16xf32>
          %swap3A_288 = vector.shape_cast %mul3A_281 : vector<16xf32> to vector<1x1x16xf32>
          tpu.vector_store %arg5[%swap3A_283, %swap3A_284, %swap3A_285], %swap3A_288 {strides = array<i32>} : memref<2x48x512xf32, #tpu.memory_space<vmem>>, vector<1x1x16xf32>,
          %get3A_289 = arith.constant 1 : i32
          %get3A_290 = arith.index_cast %get3A_289 : i32 to index
          %get3A_291 = arith.index_cast %scan3A_135 : i32 to index
          %get3A_292 = arith.constant 176 : index
          %get3A_293 = tpu.vector_load %arg5[%get3A_290, %get3A_291, %get3A_292] {strides = array<i32>} : memref<2x48x512xf32, #tpu.memory_space<vmem>>, vector<1x1x16xf32>,
          %get3A_294 = vector.shape_cast %get3A_293 : vector<1x1x16xf32> to vector<16xf32>
          %mul3A_295 = arith.mulf %get3A_294, %get3A_129 : vector<16xf32>
          %swap3A_296 = arith.constant 1 : i32
          %swap3A_297 = arith.index_cast %swap3A_296 : i32 to index
          %swap3A_298 = arith.index_cast %scan3A_135 : i32 to index
          %swap3A_299 = arith.constant 176 : index
          %swap3A_300 = tpu.vector_load %arg5[%swap3A_297, %swap3A_298, %swap3A_299] {strides = array<i32>} : memref<2x48x512xf32, #tpu.memory_space<vmem>>, vector<1x1x16xf32>,
          %swap3A_301 = vector.shape_cast %swap3A_300 : vector<1x1x16xf32> to vector<16xf32>
          %swap3A_302 = vector.shape_cast %mul3A_295 : vector<16xf32> to vector<1x1x16xf32>
          tpu.vector_store %arg5[%swap3A_297, %swap3A_298, %swap3A_299], %swap3A_302 {strides = array<i32>} : memref<2x48x512xf32, #tpu.memory_space<vmem>>, vector<1x1x16xf32>,
          %get3A_303 = arith.constant 1 : i32
          %get3A_304 = arith.index_cast %get3A_303 : i32 to index
          %get3A_305 = arith.index_cast %scan3A_135 : i32 to index
          %get3A_306 = arith.constant 192 : index
          %get3A_307 = tpu.vector_load %arg5[%get3A_304, %get3A_305, %get3A_306] {strides = array<i32>} : memref<2x48x512xf32, #tpu.memory_space<vmem>>, vector<1x1x16xf32>,
          %get3A_308 = vector.shape_cast %get3A_307 : vector<1x1x16xf32> to vector<16xf32>
          %mul3A_309 = arith.mulf %get3A_308, %get3A_129 : vector<16xf32>
          %swap3A_310 = arith.constant 1 : i32
          %swap3A_311 = arith.index_cast %swap3A_310 : i32 to index
          %swap3A_312 = arith.index_cast %scan3A_135 : i32 to index
          %swap3A_313 = arith.constant 192 : index
          %swap3A_314 = tpu.vector_load %arg5[%swap3A_311, %swap3A_312, %swap3A_313] {strides = array<i32>} : memref<2x48x512xf32, #tpu.memory_space<vmem>>, vector<1x1x16xf32>,
          %swap3A_315 = vector.shape_cast %swap3A_314 : vector<1x1x16xf32> to vector<16xf32>
          %swap3A_316 = vector.shape_cast %mul3A_309 : vector<16xf32> to vector<1x1x16xf32>
          tpu.vector_store %arg5[%swap3A_311, %swap3A_312, %swap3A_313], %swap3A_316 {strides = array<i32>} : memref<2x48x512xf32, #tpu.memory_space<vmem>>, vector<1x1x16xf32>,
          %get3A_317 = arith.constant 1 : i32
          %get3A_318 = arith.index_cast %get3A_317 : i32 to index
          %get3A_319 = arith.index_cast %scan3A_135 : i32 to index
          %get3A_320 = arith.constant 208 : index
          %get3A_321 = tpu.vector_load %arg5[%get3A_318, %get3A_319, %get3A_320] {strides = array<i32>} : memref<2x48x512xf32, #tpu.memory_space<vmem>>, vector<1x1x16xf32>,
          %get3A_322 = vector.shape_cast %get3A_321 : vector<1x1x16xf32> to vector<16xf32>
          %mul3A_323 = arith.mulf %get3A_322, %get3A_129 : vector<16xf32>
          %swap3A_324 = arith.constant 1 : i32
          %swap3A_325 = arith.index_cast %swap3A_324 : i32 to index
          %swap3A_326 = arith.index_cast %scan3A_135 : i32 to index
          %swap3A_327 = arith.constant 208 : index
          %swap3A_328 = tpu.vector_load %arg5[%swap3A_325, %swap3A_326, %swap3A_327] {strides = array<i32>} : memref<2x48x512xf32, #tpu.memory_space<vmem>>, vector<1x1x16xf32>,
          %swap3A_329 = vector.shape_cast %swap3A_328 : vector<1x1x16xf32> to vector<16xf32>
          %swap3A_330 = vector.shape_cast %mul3A_323 : vector<16xf32> to vector<1x1x16xf32>
          tpu.vector_store %arg5[%swap3A_325, %swap3A_326, %swap3A_327], %swap3A_330 {strides = array<i32>} : memref<2x48x512xf32, #tpu.memory_space<vmem>>, vector<1x1x16xf32>,
          %get3A_331 = arith.constant 1 : i32
          %get3A_332 = arith.index_cast %get3A_331 : i32 to index
          %get3A_333 = arith.index_cast %scan3A_135 : i32 to index
          %get3A_334 = arith.constant 224 : index
          %get3A_335 = tpu.vector_load %arg5[%get3A_332, %get3A_333, %get3A_334] {strides = array<i32>} : memref<2x48x512xf32, #tpu.memory_space<vmem>>, vector<1x1x16xf32>,
          %get3A_336 = vector.shape_cast %get3A_335 : vector<1x1x16xf32> to vector<16xf32>
          %mul3A_337 = arith.mulf %get3A_336, %get3A_129 : vector<16xf32>
          %swap3A_338 = arith.constant 1 : i32
          %swap3A_339 = arith.index_cast %swap3A_338 : i32 to index
          %swap3A_340 = arith.index_cast %scan3A_135 : i32 to index
          %swap3A_341 = arith.constant 224 : index
          %swap3A_342 = tpu.vector_load %arg5[%swap3A_339, %swap3A_340, %swap3A_341] {strides = array<i32>} : memref<2x48x512xf32, #tpu.memory_space<vmem>>, vector<1x1x16xf32>,
          %swap3A_343 = vector.shape_cast %swap3A_342 : vector<1x1x16xf32> to vector<16xf32>
          %swap3A_344 = vector.shape_cast %mul3A_337 : vector<16xf32> to vector<1x1x16xf32>
          tpu.vector_store %arg5[%swap3A_339, %swap3A_340, %swap3A_341], %swap3A_344 {strides = array<i32>} : memref<2x48x512xf32, #tpu.memory_space<vmem>>, vector<1x1x16xf32>,
          %get3A_345 = arith.constant 1 : i32
          %get3A_346 = arith.index_cast %get3A_345 : i32 to index
          %get3A_347 = arith.index_cast %scan3A_135 : i32 to index
          %get3A_348 = arith.constant 240 : index
          %get3A_349 = tpu.vector_load %arg5[%get3A_346, %get3A_347, %get3A_348] {strides = array<i32>} : memref<2x48x512xf32, #tpu.memory_space<vmem>>, vector<1x1x16xf32>,
          %get3A_350 = vector.shape_cast %get3A_349 : vector<1x1x16xf32> to vector<16xf32>
          %mul3A_351 = arith.mulf %get3A_350, %get3A_129 : vector<16xf32>
          %swap3A_352 = arith.constant 1 : i32
          %swap3A_353 = arith.index_cast %swap3A_352 : i32 to index
          %swap3A_354 = arith.index_cast %scan3A_135 : i32 to index
          %swap3A_355 = arith.constant 240 : index
          %swap3A_356 = tpu.vector_load %arg5[%swap3A_353, %swap3A_354, %swap3A_355] {strides = array<i32>} : memref<2x48x512xf32, #tpu.memory_space<vmem>>, vector<1x1x16xf32>,
          %swap3A_357 = vector.shape_cast %swap3A_356 : vector<1x1x16xf32> to vector<16xf32>
          %swap3A_358 = vector.shape_cast %mul3A_351 : vector<16xf32> to vector<1x1x16xf32>
          tpu.vector_store %arg5[%swap3A_353, %swap3A_354, %swap3A_355], %swap3A_358 {strides = array<i32>} : memref<2x48x512xf32, #tpu.memory_space<vmem>>, vector<1x1x16xf32>,
          %get3A_359 = arith.constant 1 : i32
          %get3A_360 = arith.index_cast %get3A_359 : i32 to index
          %get3A_361 = arith.index_cast %scan3A_135 : i32 to index
          %get3A_362 = arith.constant 256 : index
          %get3A_363 = tpu.vector_load %arg5[%get3A_360, %get3A_361, %get3A_362] {strides = array<i32>} : memref<2x48x512xf32, #tpu.memory_space<vmem>>, vector<1x1x16xf32>,
          %get3A_364 = vector.shape_cast %get3A_363 : vector<1x1x16xf32> to vector<16xf32>
          %mul3A_365 = arith.mulf %get3A_364, %get3A_129 : vector<16xf32>
          %swap3A_366 = arith.constant 1 : i32
          %swap3A_367 = arith.index_cast %swap3A_366 : i32 to index
          %swap3A_368 = arith.index_cast %scan3A_135 : i32 to index
          %swap3A_369 = arith.constant 256 : index
          %swap3A_370 = tpu.vector_load %arg5[%swap3A_367, %swap3A_368, %swap3A_369] {strides = array<i32>} : memref<2x48x512xf32, #tpu.memory_space<vmem>>, vector<1x1x16xf32>,
          %swap3A_371 = vector.shape_cast %swap3A_370 : vector<1x1x16xf32> to vector<16xf32>
          %swap3A_372 = vector.shape_cast %mul3A_365 : vector<16xf32> to vector<1x1x16xf32>
          tpu.vector_store %arg5[%swap3A_367, %swap3A_368, %swap3A_369], %swap3A_372 {strides = array<i32>} : memref<2x48x512xf32, #tpu.memory_space<vmem>>, vector<1x1x16xf32>,
          %get3A_373 = arith.constant 1 : i32
          %get3A_374 = arith.index_cast %get3A_373 : i32 to index
          %get3A_375 = arith.index_cast %scan3A_135 : i32 to index
          %get3A_376 = arith.constant 272 : index
          %get3A_377 = tpu.vector_load %arg5[%get3A_374, %get3A_375, %get3A_376] {strides = array<i32>} : memref<2x48x512xf32, #tpu.memory_space<vmem>>, vector<1x1x16xf32>,
          %get3A_378 = vector.shape_cast %get3A_377 : vector<1x1x16xf32> to vector<16xf32>
          %mul3A_379 = arith.mulf %get3A_378, %get3A_129 : vector<16xf32>
          %swap3A_380 = arith.constant 1 : i32
          %swap3A_381 = arith.index_cast %swap3A_380 : i32 to index
          %swap3A_382 = arith.index_cast %scan3A_135 : i32 to index
          %swap3A_383 = arith.constant 272 : index
          %swap3A_384 = tpu.vector_load %arg5[%swap3A_381, %swap3A_382, %swap3A_383] {strides = array<i32>} : memref<2x48x512xf32, #tpu.memory_space<vmem>>, vector<1x1x16xf32>,
          %swap3A_385 = vector.shape_cast %swap3A_384 : vector<1x1x16xf32> to vector<16xf32>
          %swap3A_386 = vector.shape_cast %mul3A_379 : vector<16xf32> to vector<1x1x16xf32>
          tpu.vector_store %arg5[%swap3A_381, %swap3A_382, %swap3A_383], %swap3A_386 {strides = array<i32>} : memref<2x48x512xf32, #tpu.memory_space<vmem>>, vector<1x1x16xf32>,
          %get3A_387 = arith.constant 1 : i32
          %get3A_388 = arith.index_cast %get3A_387 : i32 to index
          %get3A_389 = arith.index_cast %scan3A_135 : i32 to index
          %get3A_390 = arith.constant 288 : index
          %get3A_391 = tpu.vector_load %arg5[%get3A_388, %get3A_389, %get3A_390] {strides = array<i32>} : memref<2x48x512xf32, #tpu.memory_space<vmem>>, vector<1x1x16xf32>,
          %get3A_392 = vector.shape_cast %get3A_391 : vector<1x1x16xf32> to vector<16xf32>
          %mul3A_393 = arith.mulf %get3A_392, %get3A_129 : vector<16xf32>
          %swap3A_394 = arith.constant 1 : i32
          %swap3A_395 = arith.index_cast %swap3A_394 : i32 to index
          %swap3A_396 = arith.index_cast %scan3A_135 : i32 to index
          %swap3A_397 = arith.constant 288 : index
          %swap3A_398 = tpu.vector_load %arg5[%swap3A_395, %swap3A_396, %swap3A_397] {strides = array<i32>} : memref<2x48x512xf32, #tpu.memory_space<vmem>>, vector<1x1x16xf32>,
          %swap3A_399 = vector.shape_cast %swap3A_398 : vector<1x1x16xf32> to vector<16xf32>
          %swap3A_400 = vector.shape_cast %mul3A_393 : vector<16xf32> to vector<1x1x16xf32>
          tpu.vector_store %arg5[%swap3A_395, %swap3A_396, %swap3A_397], %swap3A_400 {strides = array<i32>} : memref<2x48x512xf32, #tpu.memory_space<vmem>>, vector<1x1x16xf32>,
          %get3A_401 = arith.constant 1 : i32
          %get3A_402 = arith.index_cast %get3A_401 : i32 to index
          %get3A_403 = arith.index_cast %scan3A_135 : i32 to index
          %get3A_404 = arith.constant 304 : index
          %get3A_405 = tpu.vector_load %arg5[%get3A_402, %get3A_403, %get3A_404] {strides = array<i32>} : memref<2x48x512xf32, #tpu.memory_space<vmem>>, vector<1x1x16xf32>,
          %get3A_406 = vector.shape_cast %get3A_405 : vector<1x1x16xf32> to vector<16xf32>
          %mul3A_407 = arith.mulf %get3A_406, %get3A_129 : vector<16xf32>
          %swap3A_408 = arith.constant 1 : i32
          %swap3A_409 = arith.index_cast %swap3A_408 : i32 to index
          %swap3A_410 = arith.index_cast %scan3A_135 : i32 to index
          %swap3A_411 = arith.constant 304 : index
          %swap3A_412 = tpu.vector_load %arg5[%swap3A_409, %swap3A_410, %swap3A_411] {strides = array<i32>} : memref<2x48x512xf32, #tpu.memory_space<vmem>>, vector<1x1x16xf32>,
          %swap3A_413 = vector.shape_cast %swap3A_412 : vector<1x1x16xf32> to vector<16xf32>
          %swap3A_414 = vector.shape_cast %mul3A_407 : vector<16xf32> to vector<1x1x16xf32>
          tpu.vector_store %arg5[%swap3A_409, %swap3A_410, %swap3A_411], %swap3A_414 {strides = array<i32>} : memref<2x48x512xf32, #tpu.memory_space<vmem>>, vector<1x1x16xf32>,
          %get3A_415 = arith.constant 1 : i32
          %get3A_416 = arith.index_cast %get3A_415 : i32 to index
          %get3A_417 = arith.index_cast %scan3A_135 : i32 to index
          %get3A_418 = arith.constant 320 : index
          %get3A_419 = tpu.vector_load %arg5[%get3A_416, %get3A_417, %get3A_418] {strides = array<i32>} : memref<2x48x512xf32, #tpu.memory_space<vmem>>, vector<1x1x16xf32>,
          %get3A_420 = vector.shape_cast %get3A_419 : vector<1x1x16xf32> to vector<16xf32>
          %mul3A_421 = arith.mulf %get3A_420, %get3A_129 : vector<16xf32>
          %swap3A_422 = arith.constant 1 : i32
          %swap3A_423 = arith.index_cast %swap3A_422 : i32 to index
          %swap3A_424 = arith.index_cast %scan3A_135 : i32 to index
          %swap3A_425 = arith.constant 320 : index
          %swap3A_426 = tpu.vector_load %arg5[%swap3A_423, %swap3A_424, %swap3A_425] {strides = array<i32>} : memref<2x48x512xf32, #tpu.memory_space<vmem>>, vector<1x1x16xf32>,
          %swap3A_427 = vector.shape_cast %swap3A_426 : vector<1x1x16xf32> to vector<16xf32>
          %swap3A_428 = vector.shape_cast %mul3A_421 : vector<16xf32> to vector<1x1x16xf32>
          tpu.vector_store %arg5[%swap3A_423, %swap3A_424, %swap3A_425], %swap3A_428 {strides = array<i32>} : memref<2x48x512xf32, #tpu.memory_space<vmem>>, vector<1x1x16xf32>,
          %get3A_429 = arith.constant 1 : i32
          %get3A_430 = arith.index_cast %get3A_429 : i32 to index
          %get3A_431 = arith.index_cast %scan3A_135 : i32 to index
          %get3A_432 = arith.constant 336 : index
          %get3A_433 = tpu.vector_load %arg5[%get3A_430, %get3A_431, %get3A_432] {strides = array<i32>} : memref<2x48x512xf32, #tpu.memory_space<vmem>>, vector<1x1x16xf32>,
          %get3A_434 = vector.shape_cast %get3A_433 : vector<1x1x16xf32> to vector<16xf32>
          %mul3A_435 = arith.mulf %get3A_434, %get3A_129 : vector<16xf32>
          %swap3A_436 = arith.constant 1 : i32
          %swap3A_437 = arith.index_cast %swap3A_436 : i32 to index
          %swap3A_438 = arith.index_cast %scan3A_135 : i32 to index
          %swap3A_439 = arith.constant 336 : index
          %swap3A_440 = tpu.vector_load %arg5[%swap3A_437, %swap3A_438, %swap3A_439] {strides = array<i32>} : memref<2x48x512xf32, #tpu.memory_space<vmem>>, vector<1x1x16xf32>,
          %swap3A_441 = vector.shape_cast %swap3A_440 : vector<1x1x16xf32> to vector<16xf32>
          %swap3A_442 = vector.shape_cast %mul3A_435 : vector<16xf32> to vector<1x1x16xf32>
          tpu.vector_store %arg5[%swap3A_437, %swap3A_438, %swap3A_439], %swap3A_442 {strides = array<i32>} : memref<2x48x512xf32, #tpu.memory_space<vmem>>, vector<1x1x16xf32>,
          %get3A_443 = arith.constant 1 : i32
          %get3A_444 = arith.index_cast %get3A_443 : i32 to index
          %get3A_445 = arith.index_cast %scan3A_135 : i32 to index
          %get3A_446 = arith.constant 352 : index
          %get3A_447 = tpu.vector_load %arg5[%get3A_444, %get3A_445, %get3A_446] {strides = array<i32>} : memref<2x48x512xf32, #tpu.memory_space<vmem>>, vector<1x1x16xf32>,
          %get3A_448 = vector.shape_cast %get3A_447 : vector<1x1x16xf32> to vector<16xf32>
          %mul3A_449 = arith.mulf %get3A_448, %get3A_129 : vector<16xf32>
          %swap3A_450 = arith.constant 1 : i32
          %swap3A_451 = arith.index_cast %swap3A_450 : i32 to index
          %swap3A_452 = arith.index_cast %scan3A_135 : i32 to index
          %swap3A_453 = arith.constant 352 : index
          %swap3A_454 = tpu.vector_load %arg5[%swap3A_451, %swap3A_452, %swap3A_453] {strides = array<i32>} : memref<2x48x512xf32, #tpu.memory_space<vmem>>, vector<1x1x16xf32>,
          %swap3A_455 = vector.shape_cast %swap3A_454 : vector<1x1x16xf32> to vector<16xf32>
          %swap3A_456 = vector.shape_cast %mul3A_449 : vector<16xf32> to vector<1x1x16xf32>
          tpu.vector_store %arg5[%swap3A_451, %swap3A_452, %swap3A_453], %swap3A_456 {strides = array<i32>} : memref<2x48x512xf32, #tpu.memory_space<vmem>>, vector<1x1x16xf32>,
          %get3A_457 = arith.constant 1 : i32
          %get3A_458 = arith.index_cast %get3A_457 : i32 to index
          %get3A_459 = arith.index_cast %scan3A_135 : i32 to index
          %get3A_460 = arith.constant 368 : index
          %get3A_461 = tpu.vector_load %arg5[%get3A_458, %get3A_459, %get3A_460] {strides = array<i32>} : memref<2x48x512xf32, #tpu.memory_space<vmem>>, vector<1x1x16xf32>,
          %get3A_462 = vector.shape_cast %get3A_461 : vector<1x1x16xf32> to vector<16xf32>
          %mul3A_463 = arith.mulf %get3A_462, %get3A_129 : vector<16xf32>
          %swap3A_464 = arith.constant 1 : i32
          %swap3A_465 = arith.index_cast %swap3A_464 : i32 to index
          %swap3A_466 = arith.index_cast %scan3A_135 : i32 to index
          %swap3A_467 = arith.constant 368 : index
          %swap3A_468 = tpu.vector_load %arg5[%swap3A_465, %swap3A_466, %swap3A_467] {strides = array<i32>} : memref<2x48x512xf32, #tpu.memory_space<vmem>>, vector<1x1x16xf32>,
          %swap3A_469 = vector.shape_cast %swap3A_468 : vector<1x1x16xf32> to vector<16xf32>
          %swap3A_470 = vector.shape_cast %mul3A_463 : vector<16xf32> to vector<1x1x16xf32>
          tpu.vector_store %arg5[%swap3A_465, %swap3A_466, %swap3A_467], %swap3A_470 {strides = array<i32>} : memref<2x48x512xf32, #tpu.memory_space<vmem>>, vector<1x1x16xf32>,
          %get3A_471 = arith.constant 1 : i32
          %get3A_472 = arith.index_cast %get3A_471 : i32 to index
          %get3A_473 = arith.index_cast %scan3A_135 : i32 to index
          %get3A_474 = arith.constant 384 : index
          %get3A_475 = tpu.vector_load %arg5[%get3A_472, %get3A_473, %get3A_474] {strides = array<i32>} : memref<2x48x512xf32, #tpu.memory_space<vmem>>, vector<1x1x16xf32>,
          %get3A_476 = vector.shape_cast %get3A_475 : vector<1x1x16xf32> to vector<16xf32>
          %mul3A_477 = arith.mulf %get3A_476, %get3A_129 : vector<16xf32>
          %swap3A_478 = arith.constant 1 : i32
          %swap3A_479 = arith.index_cast %swap3A_478 : i32 to index
          %swap3A_480 = arith.index_cast %scan3A_135 : i32 to index
          %swap3A_481 = arith.constant 384 : index
          %swap3A_482 = tpu.vector_load %arg5[%swap3A_479, %swap3A_480, %swap3A_481] {strides = array<i32>} : memref<2x48x512xf32, #tpu.memory_space<vmem>>, vector<1x1x16xf32>,
          %swap3A_483 = vector.shape_cast %swap3A_482 : vector<1x1x16xf32> to vector<16xf32>
          %swap3A_484 = vector.shape_cast %mul3A_477 : vector<16xf32> to vector<1x1x16xf32>
          tpu.vector_store %arg5[%swap3A_479, %swap3A_480, %swap3A_481], %swap3A_484 {strides = array<i32>} : memref<2x48x512xf32, #tpu.memory_space<vmem>>, vector<1x1x16xf32>,
          %get3A_485 = arith.constant 1 : i32
          %get3A_486 = arith.index_cast %get3A_485 : i32 to index
          %get3A_487 = arith.index_cast %scan3A_135 : i32 to index
          %get3A_488 = arith.constant 400 : index
          %get3A_489 = tpu.vector_load %arg5[%get3A_486, %get3A_487, %get3A_488] {strides = array<i32>} : memref<2x48x512xf32, #tpu.memory_space<vmem>>, vector<1x1x16xf32>,
          %get3A_490 = vector.shape_cast %get3A_489 : vector<1x1x16xf32> to vector<16xf32>
          %mul3A_491 = arith.mulf %get3A_490, %get3A_129 : vector<16xf32>
          %swap3A_492 = arith.constant 1 : i32
          %swap3A_493 = arith.index_cast %swap3A_492 : i32 to index
          %swap3A_494 = arith.index_cast %scan3A_135 : i32 to index
          %swap3A_495 = arith.constant 400 : index
          %swap3A_496 = tpu.vector_load %arg5[%swap3A_493, %swap3A_494, %swap3A_495] {strides = array<i32>} : memref<2x48x512xf32, #tpu.memory_space<vmem>>, vector<1x1x16xf32>,
          %swap3A_497 = vector.shape_cast %swap3A_496 : vector<1x1x16xf32> to vector<16xf32>
          %swap3A_498 = vector.shape_cast %mul3A_491 : vector<16xf32> to vector<1x1x16xf32>
          tpu.vector_store %arg5[%swap3A_493, %swap3A_494, %swap3A_495], %swap3A_498 {strides = array<i32>} : memref<2x48x512xf32, #tpu.memory_space<vmem>>, vector<1x1x16xf32>,
          %get3A_499 = arith.constant 1 : i32
          %get3A_500 = arith.index_cast %get3A_499 : i32 to index
          %get3A_501 = arith.index_cast %scan3A_135 : i32 to index
          %get3A_502 = arith.constant 416 : index
          %get3A_503 = tpu.vector_load %arg5[%get3A_500, %get3A_501, %get3A_502] {strides = array<i32>} : memref<2x48x512xf32, #tpu.memory_space<vmem>>, vector<1x1x16xf32>,
          %get3A_504 = vector.shape_cast %get3A_503 : vector<1x1x16xf32> to vector<16xf32>
          %mul3A_505 = arith.mulf %get3A_504, %get3A_129 : vector<16xf32>
          %swap3A_506 = arith.constant 1 : i32
          %swap3A_507 = arith.index_cast %swap3A_506 : i32 to index
          %swap3A_508 = arith.index_cast %scan3A_135 : i32 to index
          %swap3A_509 = arith.constant 416 : index
          %swap3A_510 = tpu.vector_load %arg5[%swap3A_507, %swap3A_508, %swap3A_509] {strides = array<i32>} : memref<2x48x512xf32, #tpu.memory_space<vmem>>, vector<1x1x16xf32>,
          %swap3A_511 = vector.shape_cast %swap3A_510 : vector<1x1x16xf32> to vector<16xf32>
          %swap3A_512 = vector.shape_cast %mul3A_505 : vector<16xf32> to vector<1x1x16xf32>
          tpu.vector_store %arg5[%swap3A_507, %swap3A_508, %swap3A_509], %swap3A_512 {strides = array<i32>} : memref<2x48x512xf32, #tpu.memory_space<vmem>>, vector<1x1x16xf32>,
          %get3A_513 = arith.constant 1 : i32
          %get3A_514 = arith.index_cast %get3A_513 : i32 to index
          %get3A_515 = arith.index_cast %scan3A_135 : i32 to index
          %get3A_516 = arith.constant 432 : index
          %get3A_517 = tpu.vector_load %arg5[%get3A_514, %get3A_515, %get3A_516] {strides = array<i32>} : memref<2x48x512xf32, #tpu.memory_space<vmem>>, vector<1x1x16xf32>,
          %get3A_518 = vector.shape_cast %get3A_517 : vector<1x1x16xf32> to vector<16xf32>
          %mul3A_519 = arith.mulf %get3A_518, %get3A_129 : vector<16xf32>
          %swap3A_520 = arith.constant 1 : i32
          %swap3A_521 = arith.index_cast %swap3A_520 : i32 to index
          %swap3A_522 = arith.index_cast %scan3A_135 : i32 to index
          %swap3A_523 = arith.constant 432 : index
          %swap3A_524 = tpu.vector_load %arg5[%swap3A_521, %swap3A_522, %swap3A_523] {strides = array<i32>} : memref<2x48x512xf32, #tpu.memory_space<vmem>>, vector<1x1x16xf32>,
          %swap3A_525 = vector.shape_cast %swap3A_524 : vector<1x1x16xf32> to vector<16xf32>
          %swap3A_526 = vector.shape_cast %mul3A_519 : vector<16xf32> to vector<1x1x16xf32>
          tpu.vector_store %arg5[%swap3A_521, %swap3A_522, %swap3A_523], %swap3A_526 {strides = array<i32>} : memref<2x48x512xf32, #tpu.memory_space<vmem>>, vector<1x1x16xf32>,
          %get3A_527 = arith.constant 1 : i32
          %get3A_528 = arith.index_cast %get3A_527 : i32 to index
          %get3A_529 = arith.index_cast %scan3A_135 : i32 to index
          %get3A_530 = arith.constant 448 : index
          %get3A_531 = tpu.vector_load %arg5[%get3A_528, %get3A_529, %get3A_530] {strides = array<i32>} : memref<2x48x512xf32, #tpu.memory_space<vmem>>, vector<1x1x16xf32>,
          %get3A_532 = vector.shape_cast %get3A_531 : vector<1x1x16xf32> to vector<16xf32>
          %mul3A_533 = arith.mulf %get3A_532, %get3A_129 : vector<16xf32>
          %swap3A_534 = arith.constant 1 : i32
          %swap3A_535 = arith.index_cast %swap3A_534 : i32 to index
          %swap3A_536 = arith.index_cast %scan3A_135 : i32 to index
          %swap3A_537 = arith.constant 448 : index
          %swap3A_538 = tpu.vector_load %arg5[%swap3A_535, %swap3A_536, %swap3A_537] {strides = array<i32>} : memref<2x48x512xf32, #tpu.memory_space<vmem>>, vector<1x1x16xf32>,
          %swap3A_539 = vector.shape_cast %swap3A_538 : vector<1x1x16xf32> to vector<16xf32>
          %swap3A_540 = vector.shape_cast %mul3A_533 : vector<16xf32> to vector<1x1x16xf32>
          tpu.vector_store %arg5[%swap3A_535, %swap3A_536, %swap3A_537], %swap3A_540 {strides = array<i32>} : memref<2x48x512xf32, #tpu.memory_space<vmem>>, vector<1x1x16xf32>,
          %get3A_541 = arith.constant 1 : i32
          %get3A_542 = arith.index_cast %get3A_541 : i32 to index
          %get3A_543 = arith.index_cast %scan3A_135 : i32 to index
          %get3A_544 = arith.constant 464 : index
          %get3A_545 = tpu.vector_load %arg5[%get3A_542, %get3A_543, %get3A_544] {strides = array<i32>} : memref<2x48x512xf32, #tpu.memory_space<vmem>>, vector<1x1x16xf32>,
          %get3A_546 = vector.shape_cast %get3A_545 : vector<1x1x16xf32> to vector<16xf32>
          %mul3A_547 = arith.mulf %get3A_546, %get3A_129 : vector<16xf32>
          %swap3A_548 = arith.constant 1 : i32
          %swap3A_549 = arith.index_cast %swap3A_548 : i32 to index
          %swap3A_550 = arith.index_cast %scan3A_135 : i32 to index
          %swap3A_551 = arith.constant 464 : index
          %swap3A_552 = tpu.vector_load %arg5[%swap3A_549, %swap3A_550, %swap3A_551] {strides = array<i32>} : memref<2x48x512xf32, #tpu.memory_space<vmem>>, vector<1x1x16xf32>,
          %swap3A_553 = vector.shape_cast %swap3A_552 : vector<1x1x16xf32> to vector<16xf32>
          %swap3A_554 = vector.shape_cast %mul3A_547 : vector<16xf32> to vector<1x1x16xf32>
          tpu.vector_store %arg5[%swap3A_549, %swap3A_550, %swap3A_551], %swap3A_554 {strides = array<i32>} : memref<2x48x512xf32, #tpu.memory_space<vmem>>, vector<1x1x16xf32>,
          %get3A_555 = arith.constant 1 : i32
          %get3A_556 = arith.index_cast %get3A_555 : i32 to index
          %get3A_557 = arith.index_cast %scan3A_135 : i32 to index
          %get3A_558 = arith.constant 480 : index
          %get3A_559 = tpu.vector_load %arg5[%get3A_556, %get3A_557, %get3A_558] {strides = array<i32>} : memref<2x48x512xf32, #tpu.memory_space<vmem>>, vector<1x1x16xf32>,
          %get3A_560 = vector.shape_cast %get3A_559 : vector<1x1x16xf32> to vector<16xf32>
          %mul3A_561 = arith.mulf %get3A_560, %get3A_129 : vector<16xf32>
          %swap3A_562 = arith.constant 1 : i32
          %swap3A_563 = arith.index_cast %swap3A_562 : i32 to index
          %swap3A_564 = arith.index_cast %scan3A_135 : i32 to index
          %swap3A_565 = arith.constant 480 : index
          %swap3A_566 = tpu.vector_load %arg5[%swap3A_563, %swap3A_564, %swap3A_565] {strides = array<i32>} : memref<2x48x512xf32, #tpu.memory_space<vmem>>, vector<1x1x16xf32>,
          %swap3A_567 = vector.shape_cast %swap3A_566 : vector<1x1x16xf32> to vector<16xf32>
          %swap3A_568 = vector.shape_cast %mul3A_561 : vector<16xf32> to vector<1x1x16xf32>
          tpu.vector_store %arg5[%swap3A_563, %swap3A_564, %swap3A_565], %swap3A_568 {strides = array<i32>} : memref<2x48x512xf32, #tpu.memory_space<vmem>>, vector<1x1x16xf32>,
          %get3A_569 = arith.constant 1 : i32
          %get3A_570 = arith.index_cast %get3A_569 : i32 to index
          %get3A_571 = arith.index_cast %scan3A_135 : i32 to index
          %get3A_572 = arith.constant 496 : index
          %get3A_573 = tpu.vector_load %arg5[%get3A_570, %get3A_571, %get3A_572] {strides = array<i32>} : memref<2x48x512xf32, #tpu.memory_space<vmem>>, vector<1x1x16xf32>,
          %get3A_574 = vector.shape_cast %get3A_573 : vector<1x1x16xf32> to vector<16xf32>
          %mul3A_575 = arith.mulf %get3A_574, %get3A_129 : vector<16xf32>
          %swap3A_576 = arith.constant 1 : i32
          %swap3A_577 = arith.index_cast %swap3A_576 : i32 to index
          %swap3A_578 = arith.index_cast %scan3A_135 : i32 to index
          %swap3A_579 = arith.constant 496 : index
          %swap3A_580 = tpu.vector_load %arg5[%swap3A_577, %swap3A_578, %swap3A_579] {strides = array<i32>} : memref<2x48x512xf32, #tpu.memory_space<vmem>>, vector<1x1x16xf32>,
          %swap3A_581 = vector.shape_cast %swap3A_580 : vector<1x1x16xf32> to vector<16xf32>
          %swap3A_582 = vector.shape_cast %mul3A_575 : vector<16xf32> to vector<1x1x16xf32>
          tpu.vector_store %arg5[%swap3A_577, %swap3A_578, %swap3A_579], %swap3A_582 {strides = array<i32>} : memref<2x48x512xf32, #tpu.memory_space<vmem>>, vector<1x1x16xf32>,
        }
        %scan3A_134 = arith.constant 20 : i32
      } else {
      }
      %add3A_87 = arith.constant 48 : i32
      %add3A_88 = arith.addi %multiple_of3A, %add3A_87 : i32
      %dma_start3A_89 = arith.constant 1 : i32
      %dma_start3A_90 = arith.constant 0 : i32
      %dma_start3A_91 = arith.constant 0 : i32
      %dma_start3A_92 = tpu.memref_slice %arg5[%dma_start3A_89, %dma_start3A_90, %dma_start3A_91] : memref<2x48x512xf32, #tpu.memory_space<vmem>> -> memref<1x48x512xf32, #tpu.memory_space<vmem>>
      %dma_start3A_93 = tpu.memref_squeeze %dma_start3A_92 : memref<1x48x512xf32, #tpu.memory_space<vmem>> -> memref<48x512xf32, #tpu.memory_space<vmem>>
      %dma_start3A_94 = arith.constant 0 : i32
      %dma_start3A_95 = tpu.memref_slice %arg4[%add3A_88, %dma_start3A_94] : memref<3000x512xf32, #tpu.memory_space<hbm>> -> memref<48x512xf32, #tpu.memory_space<hbm>>
      %dma_start3A_96 = arith.constant 0 : i32
      %dma_start3A_97 = tpu.memref_slice %arg4[%add3A_88, %dma_start3A_96] : memref<3000x512xf32, #tpu.memory_space<hbm>> -> memref<48x512xf32, #tpu.memory_space<hbm>>
      %dma_start3A_98 = arith.constant 0 : i32
      %dma_start3A_99 = arith.constant 0 : i32
      %dma_start3A_100 = tpu.memref_slice %arg5[%dma_start3A_89, %dma_start3A_98, %dma_start3A_99] : memref<2x48x512xf32, #tpu.memory_space<vmem>> -> memref<1x48x512xf32, #tpu.memory_space<vmem>>
      %dma_start3A_101 = tpu.memref_squeeze %dma_start3A_100 : memref<1x48x512xf32, #tpu.memory_space<vmem>> -> memref<48x512xf32, #tpu.memory_space<vmem>>
      tpu.enqueue_dma source(%dma_start3A_101 : memref<48x512xf32, #tpu.memory_space<vmem>>) target(%dma_start3A_97 : memref<48x512xf32, #tpu.memory_space<hbm>>) target_semaphore(%arg10 : memref<!tpu.dma_semaphore, #tpu.memory_space<semaphore_mem>>)
      %dma_wait3A_102 = arith.constant 0 : i32
      %dma_wait3A_103 = arith.constant 0 : i32
      %dma_wait3A_104 = arith.constant 0 : i32
      %dma_wait3A_105 = tpu.memref_slice %arg5[%dma_wait3A_102, %dma_wait3A_103, %dma_wait3A_104] : memref<2x48x512xf32, #tpu.memory_space<vmem>> -> memref<1x48x512xf32, #tpu.memory_space<vmem>>
      %dma_wait3A_106 = tpu.memref_squeeze %dma_wait3A_105 : memref<1x48x512xf32, #tpu.memory_space<vmem>> -> memref<48x512xf32, #tpu.memory_space<vmem>>
      %dma_wait3A_107 = arith.constant 0 : i32
      %dma_wait3A_108 = tpu.memref_slice %arg4[%add3A_55, %dma_wait3A_107] : memref<3000x512xf32, #tpu.memory_space<hbm>> -> memref<48x512xf32, #tpu.memory_space<hbm>>
      %dma_wait3A_109 = arith.constant 0 : i32
      %dma_wait3A_110 = tpu.memref_slice %arg4[%add3A_55, %dma_wait3A_109] : memref<3000x512xf32, #tpu.memory_space<hbm>> -> memref<48x512xf32, #tpu.memory_space<hbm>>
      %dma_wait3A_111 = arith.constant 0 : i32
      %dma_wait3A_112 = arith.constant 0 : i32
      %dma_wait3A_113 = tpu.memref_slice %arg5[%dma_wait3A_102, %dma_wait3A_111, %dma_wait3A_112] : memref<2x48x512xf32, #tpu.memory_space<vmem>> -> memref<1x48x512xf32, #tpu.memory_space<vmem>>
      %dma_wait3A_114 = tpu.memref_squeeze %dma_wait3A_113 : memref<1x48x512xf32, #tpu.memory_space<vmem>> -> memref<48x512xf32, #tpu.memory_space<vmem>>
      tpu.wait_dma2 semaphore(%arg9 : memref<!tpu.dma_semaphore, #tpu.memory_space<semaphore_mem>>) src(%dma_wait3A_114 : memref<48x512xf32, #tpu.memory_space<vmem>>) dst(%dma_wait3A_110 : memref<48x512xf32, #tpu.memory_space<hbm>>)
      %dma_wait3A_115 = arith.constant 1 : i32
      %dma_wait3A_116 = arith.constant 0 : i32
      %dma_wait3A_117 = arith.constant 0 : i32
      %dma_wait3A_118 = tpu.memref_slice %arg5[%dma_wait3A_115, %dma_wait3A_116, %dma_wait3A_117] : memref<2x48x512xf32, #tpu.memory_space<vmem>> -> memref<1x48x512xf32, #tpu.memory_space<vmem>>
      %dma_wait3A_119 = tpu.memref_squeeze %dma_wait3A_118 : memref<1x48x512xf32, #tpu.memory_space<vmem>> -> memref<48x512xf32, #tpu.memory_space<vmem>>
      %dma_wait3A_120 = arith.constant 0 : i32
      %dma_wait3A_121 = tpu.memref_slice %arg4[%add3A_88, %dma_wait3A_120] : memref<3000x512xf32, #tpu.memory_space<hbm>> -> memref<48x512xf32, #tpu.memory_space<hbm>>
      %dma_wait3A_122 = arith.constant 0 : i32
      %dma_wait3A_123 = tpu.memref_slice %arg4[%add3A_88, %dma_wait3A_122] : memref<3000x512xf32, #tpu.memory_space<hbm>> -> memref<48x512xf32, #tpu.memory_space<hbm>>
      %dma_wait3A_124 = arith.constant 0 : i32
      %dma_wait3A_125 = arith.constant 0 : i32
      %dma_wait3A_126 = tpu.memref_slice %arg5[%dma_wait3A_115, %dma_wait3A_124, %dma_wait3A_125] : memref<2x48x512xf32, #tpu.memory_space<vmem>> -> memref<1x48x512xf32, #tpu.memory_space<vmem>>
      %dma_wait3A_127 = tpu.memref_squeeze %dma_wait3A_126 : memref<1x48x512xf32, #tpu.memory_space<vmem>> -> memref<48x512xf32, #tpu.memory_space<vmem>>
      tpu.wait_dma2 semaphore(%arg10 : memref<!tpu.dma_semaphore, #tpu.memory_space<semaphore_mem>>) src(%dma_wait3A_127 : memref<48x512xf32, #tpu.memory_space<vmem>>) dst(%dma_wait3A_123 : memref<48x512xf32, #tpu.memory_space<hbm>>)
    } else {
    }
    %ge3A = arith.constant 23 : i32
    %ge3A_3 = arith.cmpi sge, %add3A, %ge3A : i32
    %convert_element_type3A_4 = arith.extui %ge3A_3 : i1 to i32
    %cond3A_5 = arith.constant 0 : i32
    %cond3A_6 = arith.cmpi ne, %convert_element_type3A_4, %cond3A_5 : i32
    scf.if %cond3A_6 {
      %sub3A = arith.constant 23 : i32
      %sub3A_7 = arith.subi %add3A, %sub3A : i32
      %mul3A_8 = arith.constant 88 : i32
      %mul3A_9 = arith.muli %mul3A_8, %sub3A_7 : i32
      %add3A_10 = arith.constant 2208 : i32
      %add3A_11 = arith.addi %add3A_10, %mul3A_9 : i32
      %multiple_of3A = tpu.assume_multiple %add3A_11, 8 : i32
      %add3A_12 = arith.constant 0 : i32
      %add3A_13 = arith.addi %multiple_of3A, %add3A_12 : i32
      %dma_start3A = arith.constant 0 : i32
      %dma_start3A_14 = arith.constant 0 : i32
      %dma_start3A_15 = arith.constant 0 : i32
      %dma_start3A_16 = tpu.memref_slice %arg5[%dma_start3A, %dma_start3A_14, %dma_start3A_15] : memref<2x48x512xf32, #tpu.memory_space<vmem>> -> memref<1x48x512xf32, #tpu.memory_space<vmem>>
      %dma_start3A_17 = tpu.memref_squeeze %dma_start3A_16 : memref<1x48x512xf32, #tpu.memory_space<vmem>> -> memref<48x512xf32, #tpu.memory_space<vmem>>
      %dma_start3A_18 = arith.constant 0 : i32
      %dma_start3A_19 = tpu.memref_slice %arg2[%add3A_13, %dma_start3A_18] : memref<3000x512xf32, #tpu.memory_space<hbm>> -> memref<48x512xf32, #tpu.memory_space<hbm>>
      %dma_start3A_20 = arith.constant 0 : i32
      %dma_start3A_21 = arith.constant 0 : i32
      %dma_start3A_22 = tpu.memref_slice %arg5[%dma_start3A, %dma_start3A_20, %dma_start3A_21] : memref<2x48x512xf32, #tpu.memory_space<vmem>> -> memref<1x48x512xf32, #tpu.memory_space<vmem>>
      %dma_start3A_23 = tpu.memref_squeeze %dma_start3A_22 : memref<1x48x512xf32, #tpu.memory_space<vmem>> -> memref<48x512xf32, #tpu.memory_space<vmem>>
      %dma_start3A_24 = arith.constant 0 : i32
      %dma_start3A_25 = tpu.memref_slice %arg2[%add3A_13, %dma_start3A_24] : memref<3000x512xf32, #tpu.memory_space<hbm>> -> memref<48x512xf32, #tpu.memory_space<hbm>>
      tpu.enqueue_dma source(%dma_start3A_25 : memref<48x512xf32, #tpu.memory_space<hbm>>) target(%dma_start3A_23 : memref<48x512xf32, #tpu.memory_space<vmem>>) target_semaphore(%arg7 : memref<!tpu.dma_semaphore, #tpu.memory_space<semaphore_mem>>)
      %add3A_26 = arith.constant 48 : i32
      %add3A_27 = arith.addi %multiple_of3A, %add3A_26 : i32
      %dma_start3A_28 = arith.constant 1 : i32
      %dma_start3A_29 = arith.constant 0 : i32
      %dma_start3A_30 = arith.constant 0 : i32
      %dma_start3A_31 = tpu.memref_slice %arg5[%dma_start3A_28, %dma_start3A_29, %dma_start3A_30] : memref<2x48x512xf32, #tpu.memory_space<vmem>> -> memref<1x40x512xf32, #tpu.memory_space<vmem>>
      %dma_start3A_32 = tpu.memref_squeeze %dma_start3A_31 : memref<1x40x512xf32, #tpu.memory_space<vmem>> -> memref<40x512xf32, #tpu.memory_space<vmem>>
      %dma_start3A_33 = arith.constant 0 : i32
      %dma_start3A_34 = tpu.memref_slice %arg2[%add3A_27, %dma_start3A_33] : memref<3000x512xf32, #tpu.memory_space<hbm>> -> memref<40x512xf32, #tpu.memory_space<hbm>>
      %dma_start3A_35 = arith.constant 0 : i32
      %dma_start3A_36 = arith.constant 0 : i32
      %dma_start3A_37 = tpu.memref_slice %arg5[%dma_start3A_28, %dma_start3A_35, %dma_start3A_36] : memref<2x48x512xf32, #tpu.memory_space<vmem>> -> memref<1x40x512xf32, #tpu.memory_space<vmem>>
      %dma_start3A_38 = tpu.memref_squeeze %dma_start3A_37 : memref<1x40x512xf32, #tpu.memory_space<vmem>> -> memref<40x512xf32, #tpu.memory_space<vmem>>
      %dma_start3A_39 = arith.constant 0 : i32
      %dma_start3A_40 = tpu.memref_slice %arg2[%add3A_27, %dma_start3A_39] : memref<3000x512xf32, #tpu.memory_space<hbm>> -> memref<40x512xf32, #tpu.memory_space<hbm>>
      tpu.enqueue_dma source(%dma_start3A_40 : memref<40x512xf32, #tpu.memory_space<hbm>>) target(%dma_start3A_38 : memref<40x512xf32, #tpu.memory_space<vmem>>) target_semaphore(%arg8 : memref<!tpu.dma_semaphore, #tpu.memory_space<semaphore_mem>>)
      %dma_wait3A = arith.constant 0 : i32
      %dma_wait3A_41 = arith.constant 0 : i32
      %dma_wait3A_42 = arith.constant 0 : i32
      %dma_wait3A_43 = tpu.memref_slice %arg5[%dma_wait3A, %dma_wait3A_41, %dma_wait3A_42] : memref<2x48x512xf32, #tpu.memory_space<vmem>> -> memref<1x48x512xf32, #tpu.memory_space<vmem>>
      %dma_wait3A_44 = tpu.memref_squeeze %dma_wait3A_43 : memref<1x48x512xf32, #tpu.memory_space<vmem>> -> memref<48x512xf32, #tpu.memory_space<vmem>>
      %dma_wait3A_45 = arith.constant 0 : i32
      %dma_wait3A_46 = tpu.memref_slice %arg2[%add3A_13, %dma_wait3A_45] : memref<3000x512xf32, #tpu.memory_space<hbm>> -> memref<48x512xf32, #tpu.memory_space<hbm>>
      %dma_wait3A_47 = arith.constant 0 : i32
      %dma_wait3A_48 = arith.constant 0 : i32
      %dma_wait3A_49 = tpu.memref_slice %arg5[%dma_wait3A, %dma_wait3A_47, %dma_wait3A_48] : memref<2x48x512xf32, #tpu.memory_space<vmem>> -> memref<1x48x512xf32, #tpu.memory_space<vmem>>
      %dma_wait3A_50 = tpu.memref_squeeze %dma_wait3A_49 : memref<1x48x512xf32, #tpu.memory_space<vmem>> -> memref<48x512xf32, #tpu.memory_space<vmem>>
      %dma_wait3A_51 = arith.constant 0 : i32
      %dma_wait3A_52 = tpu.memref_slice %arg2[%add3A_13, %dma_wait3A_51] : memref<3000x512xf32, #tpu.memory_space<hbm>> -> memref<48x512xf32, #tpu.memory_space<hbm>>
      tpu.wait_dma2 semaphore(%arg7 : memref<!tpu.dma_semaphore, #tpu.memory_space<semaphore_mem>>) src(%dma_wait3A_52 : memref<48x512xf32, #tpu.memory_space<hbm>>) dst(%dma_wait3A_50 : memref<48x512xf32, #tpu.memory_space<vmem>>)
      %add3A_53 = arith.constant 0 : i32
      %add3A_54 = arith.addi %multiple_of3A, %add3A_53 : i32
      %dma_start3A_55 = arith.constant 0 : i32
      %dma_start3A_56 = arith.constant 0 : i32
      %dma_start3A_57 = arith.constant 0 : i32
      %dma_start3A_58 = tpu.memref_slice %arg5[%dma_start3A_55, %dma_start3A_56, %dma_start3A_57] : memref<2x48x512xf32, #tpu.memory_space<vmem>> -> memref<1x48x512xf32, #tpu.memory_space<vmem>>
      %dma_start3A_59 = tpu.memref_squeeze %dma_start3A_58 : memref<1x48x512xf32, #tpu.memory_space<vmem>> -> memref<48x512xf32, #tpu.memory_space<vmem>>
      %dma_start3A_60 = arith.constant 0 : i32
      %dma_start3A_61 = tpu.memref_slice %arg4[%add3A_54, %dma_start3A_60] : memref<3000x512xf32, #tpu.memory_space<hbm>> -> memref<48x512xf32, #tpu.memory_space<hbm>>
      %dma_start3A_62 = arith.constant 0 : i32
      %dma_start3A_63 = tpu.memref_slice %arg4[%add3A_54, %dma_start3A_62] : memref<3000x512xf32, #tpu.memory_space<hbm>> -> memref<48x512xf32, #tpu.memory_space<hbm>>
      %dma_start3A_64 = arith.constant 0 : i32
      %dma_start3A_65 = arith.constant 0 : i32
      %dma_start3A_66 = tpu.memref_slice %arg5[%dma_start3A_55, %dma_start3A_64, %dma_start3A_65] : memref<2x48x512xf32, #tpu.memory_space<vmem>> -> memref<1x48x512xf32, #tpu.memory_space<vmem>>
      %dma_start3A_67 = tpu.memref_squeeze %dma_start3A_66 : memref<1x48x512xf32, #tpu.memory_space<vmem>> -> memref<48x512xf32, #tpu.memory_space<vmem>>
      tpu.enqueue_dma source(%dma_start3A_67 : memref<48x512xf32, #tpu.memory_space<vmem>>) target(%dma_start3A_63 : memref<48x512xf32, #tpu.memory_space<hbm>>) target_semaphore(%arg9 : memref<!tpu.dma_semaphore, #tpu.memory_space<semaphore_mem>>)
      %dma_wait3A_68 = arith.constant 1 : i32
      %dma_wait3A_69 = arith.constant 0 : i32
      %dma_wait3A_70 = arith.constant 0 : i32
      %dma_wait3A_71 = tpu.memref_slice %arg5[%dma_wait3A_68, %dma_wait3A_69, %dma_wait3A_70] : memref<2x48x512xf32, #tpu.memory_space<vmem>> -> memref<1x40x512xf32, #tpu.memory_space<vmem>>
      %dma_wait3A_72 = tpu.memref_squeeze %dma_wait3A_71 : memref<1x40x512xf32, #tpu.memory_space<vmem>> -> memref<40x512xf32, #tpu.memory_space<vmem>>
      %dma_wait3A_73 = arith.constant 0 : i32
      %dma_wait3A_74 = tpu.memref_slice %arg2[%add3A_27, %dma_wait3A_73] : memref<3000x512xf32, #tpu.memory_space<hbm>> -> memref<40x512xf32, #tpu.memory_space<hbm>>
      %dma_wait3A_75 = arith.constant 0 : i32
      %dma_wait3A_76 = arith.constant 0 : i32
      %dma_wait3A_77 = tpu.memref_slice %arg5[%dma_wait3A_68, %dma_wait3A_75, %dma_wait3A_76] : memref<2x48x512xf32, #tpu.memory_space<vmem>> -> memref<1x40x512xf32, #tpu.memory_space<vmem>>
      %dma_wait3A_78 = tpu.memref_squeeze %dma_wait3A_77 : memref<1x40x512xf32, #tpu.memory_space<vmem>> -> memref<40x512xf32, #tpu.memory_space<vmem>>
      %dma_wait3A_79 = arith.constant 0 : i32
      %dma_wait3A_80 = tpu.memref_slice %arg2[%add3A_27, %dma_wait3A_79] : memref<3000x512xf32, #tpu.memory_space<hbm>> -> memref<40x512xf32, #tpu.memory_space<hbm>>
      tpu.wait_dma2 semaphore(%arg8 : memref<!tpu.dma_semaphore, #tpu.memory_space<semaphore_mem>>) src(%dma_wait3A_80 : memref<40x512xf32, #tpu.memory_space<hbm>>) dst(%dma_wait3A_78 : memref<40x512xf32, #tpu.memory_space<vmem>>)
      %add3A_81 = arith.constant 48 : i32
      %add3A_82 = arith.addi %multiple_of3A, %add3A_81 : i32
      %dma_start3A_83 = arith.constant 1 : i32
      %dma_start3A_84 = arith.constant 0 : i32
      %dma_start3A_85 = arith.constant 0 : i32
      %dma_start3A_86 = tpu.memref_slice %arg5[%dma_start3A_83, %dma_start3A_84, %dma_start3A_85] : memref<2x48x512xf32, #tpu.memory_space<vmem>> -> memref<1x40x512xf32, #tpu.memory_space<vmem>>
      %dma_start3A_87 = tpu.memref_squeeze %dma_start3A_86 : memref<1x40x512xf32, #tpu.memory_space<vmem>> -> memref<40x512xf32, #tpu.memory_space<vmem>>
      %dma_start3A_88 = arith.constant 0 : i32
      %dma_start3A_89 = tpu.memref_slice %arg4[%add3A_82, %dma_start3A_88] : memref<3000x512xf32, #tpu.memory_space<hbm>> -> memref<40x512xf32, #tpu.memory_space<hbm>>
      %dma_start3A_90 = arith.constant 0 : i32
      %dma_start3A_91 = tpu.memref_slice %arg4[%add3A_82, %dma_start3A_90] : memref<3000x512xf32, #tpu.memory_space<hbm>> -> memref<40x512xf32, #tpu.memory_space<hbm>>
      %dma_start3A_92 = arith.constant 0 : i32
      %dma_start3A_93 = arith.constant 0 : i32
      %dma_start3A_94 = tpu.memref_slice %arg5[%dma_start3A_83, %dma_start3A_92, %dma_start3A_93] : memref<2x48x512xf32, #tpu.memory_space<vmem>> -> memref<1x40x512xf32, #tpu.memory_space<vmem>>
      %dma_start3A_95 = tpu.memref_squeeze %dma_start3A_94 : memref<1x40x512xf32, #tpu.memory_space<vmem>> -> memref<40x512xf32, #tpu.memory_space<vmem>>
      tpu.enqueue_dma source(%dma_start3A_95 : memref<40x512xf32, #tpu.memory_space<vmem>>) target(%dma_start3A_91 : memref<40x512xf32, #tpu.memory_space<hbm>>) target_semaphore(%arg10 : memref<!tpu.dma_semaphore, #tpu.memory_space<semaphore_mem>>)
      %dma_wait3A_96 = arith.constant 0 : i32
      %dma_wait3A_97 = arith.constant 0 : i32
      %dma_wait3A_98 = arith.constant 0 : i32
      %dma_wait3A_99 = tpu.memref_slice %arg5[%dma_wait3A_96, %dma_wait3A_97, %dma_wait3A_98] : memref<2x48x512xf32, #tpu.memory_space<vmem>> -> memref<1x48x512xf32, #tpu.memory_space<vmem>>
      %dma_wait3A_100 = tpu.memref_squeeze %dma_wait3A_99 : memref<1x48x512xf32, #tpu.memory_space<vmem>> -> memref<48x512xf32, #tpu.memory_space<vmem>>
      %dma_wait3A_101 = arith.constant 0 : i32
      %dma_wait3A_102 = tpu.memref_slice %arg4[%add3A_54, %dma_wait3A_101] : memref<3000x512xf32, #tpu.memory_space<hbm>> -> memref<48x512xf32, #tpu.memory_space<hbm>>
      %dma_wait3A_103 = arith.constant 0 : i32
      %dma_wait3A_104 = tpu.memref_slice %arg4[%add3A_54, %dma_wait3A_103] : memref<3000x512xf32, #tpu.memory_space<hbm>> -> memref<48x512xf32, #tpu.memory_space<hbm>>
      %dma_wait3A_105 = arith.constant 0 : i32
      %dma_wait3A_106 = arith.constant 0 : i32
      %dma_wait3A_107 = tpu.memref_slice %arg5[%dma_wait3A_96, %dma_wait3A_105, %dma_wait3A_106] : memref<2x48x512xf32, #tpu.memory_space<vmem>> -> memref<1x48x512xf32, #tpu.memory_space<vmem>>
      %dma_wait3A_108 = tpu.memref_squeeze %dma_wait3A_107 : memref<1x48x512xf32, #tpu.memory_space<vmem>> -> memref<48x512xf32, #tpu.memory_space<vmem>>
      tpu.wait_dma2 semaphore(%arg9 : memref<!tpu.dma_semaphore, #tpu.memory_space<semaphore_mem>>) src(%dma_wait3A_108 : memref<48x512xf32, #tpu.memory_space<vmem>>) dst(%dma_wait3A_104 : memref<48x512xf32, #tpu.memory_space<hbm>>)
      %dma_wait3A_109 = arith.constant 1 : i32
      %dma_wait3A_110 = arith.constant 0 : i32
      %dma_wait3A_111 = arith.constant 0 : i32
      %dma_wait3A_112 = tpu.memref_slice %arg5[%dma_wait3A_109, %dma_wait3A_110, %dma_wait3A_111] : memref<2x48x512xf32, #tpu.memory_space<vmem>> -> memref<1x40x512xf32, #tpu.memory_space<vmem>>
      %dma_wait3A_113 = tpu.memref_squeeze %dma_wait3A_112 : memref<1x40x512xf32, #tpu.memory_space<vmem>> -> memref<40x512xf32, #tpu.memory_space<vmem>>
      %dma_wait3A_114 = arith.constant 0 : i32
      %dma_wait3A_115 = tpu.memref_slice %arg4[%add3A_82, %dma_wait3A_114] : memref<3000x512xf32, #tpu.memory_space<hbm>> -> memref<40x512xf32, #tpu.memory_space<hbm>>
      %dma_wait3A_116 = arith.constant 0 : i32
      %dma_wait3A_117 = tpu.memref_slice %arg4[%add3A_82, %dma_wait3A_116] : memref<3000x512xf32, #tpu.memory_space<hbm>> -> memref<40x512xf32, #tpu.memory_space<hbm>>
      %dma_wait3A_118 = arith.constant 0 : i32
      %dma_wait3A_119 = arith.constant 0 : i32
      %dma_wait3A_120 = tpu.memref_slice %arg5[%dma_wait3A_109, %dma_wait3A_118, %dma_wait3A_119] : memref<2x48x512xf32, #tpu.memory_space<vmem>> -> memref<1x40x512xf32, #tpu.memory_space<vmem>>
      %dma_wait3A_121 = tpu.memref_squeeze %dma_wait3A_120 : memref<1x40x512xf32, #tpu.memory_space<vmem>> -> memref<40x512xf32, #tpu.memory_space<vmem>>
      tpu.wait_dma2 semaphore(%arg10 : memref<!tpu.dma_semaphore, #tpu.memory_space<semaphore_mem>>) src(%dma_wait3A_121 : memref<40x512xf32, #tpu.memory_space<vmem>>) dst(%dma_wait3A_117 : memref<40x512xf32, #tpu.memory_space<hbm>>)
    } else {
    }
    return
  }
}

</mosaic_0001>

<sc_bundles>
// kernel: kernel.3.cloned.1.call-start
scs
__scs_entry_jumppad:
0x0: {  	(pc) =	sbr.rel $0x88, $3  }
0x1: {  	(tag) =	ssettag $0x0;
	lr =	simm.s32 $0x1  }
0x2: {  	[smem:$0x3F9F] =	sst lr;
	_ =	strace $0xD0000000  }
0x3: {  	_ = 	snop  }
0x4: {  	_ = 	snop  }
0x5: {  	_ = 	snop  }
0x6: {  	_ = 	snop  }
0x7: {  	_ = 	snop  }
__scs_overlays_trampoline_lowered:
0x8: {  	[smem:$0x3FAE] =	sst s0  }
0x9: {  	[smem:$0x3FAF] =	sst s1  }
0xa: {  	[smem:$0x3FB0] =	sst s2  }
0xb: {  	[smem:$0x3FB1] =	sst s3  }
0xc: {  	[smem:$0x3FB2] =	sst s4  }
0xd: {  	[smem:$0x3FB3] =	sst s5  }
0xe: {  	[smem:$0x3FB4] =	sst s6  }
0xf: {  	[smem:$0x3FB5] =	sst s7  }
0x10: {  	[smem:$0x3FB6] =	sst s8  }
0x11: {  	[smem:$0x3FB7] =	sst s9;
	s0 =	simm.s32 @!p0 $0x0  }
0x12: {  	s1 =	sld [smem:$0x3F9D];
	s0 =	simm.s32 @p0 $0x1  }
0x13: {  	[smem:$0x3FB8] =	sst s0;
	s0 =	simm.s32 @!p1 $0x0  }
0x14: {  	s2 =	sld [smem:$0x3F9C];
	s0 =	simm.s32 @p1 $0x1  }
0x15: {  	[smem:$0x3FB9] =	sst s0;
	s0 =	simm.s32 @!p2 $0x0  }
0x16: {  	s3 =	sld [smem:$0x3FDB];
	s0 =	simm.s32 @p2 $0x1  }
0x17: {  	s4 =	simm.s32 $0x1BF5;
	[smem:$0x3FBB] =	sst s0  }
0x18: {  	s0 =	sld [smem:$0x3F9E];
	_ =	swait.ge [sflag:s4], $0x0  }
0x19: {  	s7 =	sld [smem:$0x3F9F]  }
0x1a: {  	s8 =	sadd.s32 $0xFFFFE003, lr  }
0x1b: {  	s9 =	sadd.s32 $0xFFFFFEF7, lr;
	s5 =	simm.s32 $0xFFFFFFFF;
	p2 =	slt.u32 s8, $0xFFFFF086  }
0x1c: {  	p1 =	slt.u32 s9, $0xF7A;
	s5 =	simm.s32 @!p2 $0x0  }
0x1d: {  	s5 =	simm.s32 @p1 $0x1;
	p0 =	seq.s32 s7, s2  }
0x1e: {  	s7 =	smul.u32 @!p0 $0xF7A, s2;
	p2 =	seq.s32 @!p0 s5, $0x0  }
0x1f: {  	s9 =	smul.u32 $0xF7A, s1;
	s8 =	simm.s32 @!p0 $0x1BF5;
	p2 =	por !p2, p0  }
0x20: {  	[sflag:s8] =	ssyncset.s32 @!p0 $0xFFFFF086;
	s6 =	sadd.s32 @!p0 s3, s7;
	s7 =	simm.s32 @!p0 $0x108  }
0x21: {  	s3 =	sadd.s32 s3, s9;
	s6 =	sadd.s32 @!p0 $0x88, s6;
	s7 =	simm.s32 @p2 $0x1082  }
0x22: {  	[simem:s7], [sflag:s8] =	dma.local @!p0 [hbm:s6], $0xF7A  }
0x23: {  	s9 =	sor.u32 $0xD0000000, s2;
	s6 =	simm.s32 $0x108;
	_ =	swait.ge @!p0 [sflag:s8], $0x0  }
0x24: {  	s3 =	sadd.s32 $0x88, s3;
	s6 =	simm.s32 @!p1 $0x1082;
	[sflag:s4] =	ssyncset.s32 $0xFFFFF086  }
0x25: {  	[simem:s6], [sflag:s4] =	dma.local [hbm:s3], $0xF7A  }
0x26: {  	[smem:$0x3F9F] =	sst s1;
	(tag) =	ssettag s2;
	_ =	strace s9  }
0x27: {  	s1 =	sld [smem:$0x3FAF]  }
0x28: {  	s2 =	sld [smem:$0x3FB0]  }
0x29: {  	s4 =	sld [smem:$0x3FB2]  }
0x2a: {  	p0 =	seq.s32 s5, $0x0;
	s5 =	sld [smem:$0x3FB3]  }
0x2b: {  	s6 =	sld [smem:$0x3FB4]  }
0x2c: {  	s7 =	sld [smem:$0x3FB5]  }
0x2d: {  	s3 =	simm.s32 $0x108;
	s8 =	sld [smem:$0x3FB6]  }
0x2e: {  	s3 =	simm.s32 @!p0 $0x1082;
	s9 =	sld [smem:$0x3FB7]  }
0x2f: {  	lr =	sadd.s32 s0, s3;
	s0 =	sld [smem:$0x3FAE]  }
0x30: {  	s3 =	sld [smem:$0x3FB1]  }
0x31: {  	[smem:$0x3FBA] =	sst s10  }
0x32: {  	s10 =	sld [smem:$0x3FB8];
	_ =	sdelay $0x3  }
0x33: {  	p0 =	seq.s32 s10, $0x1;
	s10 =	sld [smem:$0x3FBA];
	_ =	sdelay $0x3  }
0x34: {  	[smem:$0x3FBA] =	sst s10  }
0x35: {  	s10 =	sld [smem:$0x3FB9];
	_ =	sdelay $0x3  }
0x36: {  	p1 =	seq.s32 s10, $0x1;
	s10 =	sld [smem:$0x3FBA];
	_ =	sdelay $0x3  }
0x37: {  	[smem:$0x3FBA] =	sst s10  }
0x38: {  	s10 =	sld [smem:$0x3FBB]  }
0x39: {  	_ = 	snop;
	(pc) =	sbr.ind lr, $3  }
0x3a: {  	_ = 	snop  }
0x3b: {  	_ = 	snop  }
0x3c: {  	p2 =	seq.s32 s10, $0x1;
	s10 =	sld [smem:$0x3FBA]  }
0x3d: {  	_ =	shalt  }
0x3e: {  	_ =	shalt  }
0x3f: {  	_ =	shalt  }
0x40: {  	_ =	shalt  }
0x41: {  	_ =	shalt  }
0x42: {  	_ =	shalt  }
0x43: {  	_ =	shalt  }
0x44: {  	_ =	shalt  }
0x45: {  	_ =	shalt  }
0x46: {  	_ =	shalt  }
0x47: {  	_ =	shalt  }
0x48: {  	_ =	shalt  }
0x49: {  	_ =	shalt  }
0x4a: {  	_ =	shalt  }
0x4b: {  	_ =	shalt  }
0x4c: {  	_ =	shalt  }
0x4d: {  	_ =	shalt  }
0x4e: {  	_ =	shalt  }
0x4f: {  	_ =	shalt  }
0x50: {  	_ =	shalt  }
0x51: {  	_ =	shalt  }
0x52: {  	_ =	shalt  }
0x53: {  	_ =	shalt  }
0x54: {  	_ =	shalt  }
0x55: {  	_ =	shalt  }
0x56: {  	_ =	shalt  }
0x57: {  	_ =	shalt  }
0x58: {  	_ =	shalt  }
0x59: {  	_ =	shalt  }
0x5a: {  	_ =	shalt  }
0x5b: {  	_ =	shalt  }
0x5c: {  	_ =	shalt  }
0x5d: {  	_ =	shalt  }
0x5e: {  	_ =	shalt  }
0x5f: {  	_ =	shalt  }
0x60: {  	_ =	shalt  }
0x61: {  	_ =	shalt  }
0x62: {  	_ =	shalt  }
0x63: {  	_ =	shalt  }
0x64: {  	_ =	shalt  }
0x65: {  	_ =	shalt  }
0x66: {  	_ =	shalt  }
0x67: {  	_ =	shalt  }
0x68: {  	_ =	shalt  }
0x69: {  	_ =	shalt  }
0x6a: {  	_ =	shalt  }
0x6b: {  	_ =	shalt  }
0x6c: {  	_ =	shalt  }
0x6d: {  	_ =	shalt  }
0x6e: {  	_ =	shalt  }
0x6f: {  	_ =	shalt  }
0x70: {  	_ =	shalt  }
0x71: {  	_ =	shalt  }
0x72: {  	_ =	shalt  }
0x73: {  	_ =	shalt  }
0x74: {  	_ =	shalt  }
0x75: {  	_ =	shalt  }
0x76: {  	_ =	shalt  }
0x77: {  	_ =	shalt  }
0x78: {  	_ =	shalt  }
0x79: {  	_ =	shalt  }
0x7a: {  	_ =	shalt  }
0x7b: {  	_ =	shalt  }
0x7c: {  	_ =	shalt  }
0x7d: {  	_ =	shalt  }
0x7e: {  	_ =	shalt  }
0x7f: {  	_ =	shalt  }
0x80: {  	_ =	shalt  }
0x81: {  	_ =	shalt  }
0x82: {  	_ =	shalt  }
0x83: {  	_ =	shalt  }
0x84: {  	_ =	shalt  }
0x85: {  	_ =	shalt  }
0x86: {  	_ =	shalt  }
0x87: {  	_ =	shalt  }
.Lfunc_end0:
.L_simem_size_0:
called_computation_lowered:
.L_overlay_start_0:
0x88: {  	s2 =	sld [smem:$0x3FD9]  }
0x89: {  	s3 =	sld [smem:$0x3FFE];
	_ =	sdelay $0x1  }
0x8a: {  	s1 =	srdreg.scid  }
0x8b: {  	s0 =	sand.u32 $0x1, s1  }
0x8c: {  	s17 =	sshll.u32 s0, $0xA;
	s2 =	sadd.s32 s3, s2  }
0x8d: {  	s2 =	sadd.s32 s2, s17  }
0x8e: {  	[smem:$0x3FC6] =	sst s2  }
0x8f: {  	_ = 	snop  }
0x90: {  	s2 =	sld [smem:$0x3FC9]  }
0x91: {  	s18 =	sld [smem:$0x3FD0];
	(tm) =	ssettm $0x1  }
0x92: {  	s4 =	sld [smem:$0x3FFB];
	_ =	sdelay $0x3  }
0x93: {  	_ =	strace s4  }
0x94: {  	s4 =	sld [smem:$0x3FFC];
	_ =	sdelay $0x3  }
0x95: {  	_ =	strace s4  }
0x96: {  	s4 =	sld [smem:$0x3FFD];
	_ =	sdelay $0x3  }
0x97: {  	_ =	strace s4  }
0x98: {  	_ =	strace $0x8FFFFFFF  }
0x99: {  	s19 =	sld [smem:$0x3FDB];
	_ =	sdelay $0x1  }
0x9a: {  	s5 =	simm.s32 $_scs_section_size  }
0x9b: {  	s6 =	simm.s32 $_size__tile_overlayer_lowered;
	s7 =	simm.s32 $_tile_overlayer_lowered  }
0x9c: {  	s22 =	simm.s32 $0x1BFF;
	s21 =	sshll.u32 s7, $0x1;
	s4 =	sadd.s32 s5, s19  }
0x9d: {  	s8 =	simm.s32 $0x0;
	s20 =	sshll.u32 s6, $0x1;
	s6 =	sadd.s32 s21, s4  }
0x9e: {  	[timem:s8], [sflag:s22] =	dma.local [hbm:s6], s20  }
0x9f: {  	_ =	swait.ge [sflag:s22], s20  }
0xa0: {  	s5 =	ssub.s32 $0x0, s20;
	[sflag:s22] =	ssyncset.done $0x0  }
0xa1: {  	[sflag:s22] =	ssyncadd.s32 s5;
	_ =	sdelay $0x1  }
0xa2: {  	s23 =	simm.s32 $0x1B8B  }
0xa3: {  	_ =	swait.ge [sflag:s23], $0x1  }
0xa4: {  	[sflag:s23] =	ssyncset.done $0x0  }
0xa5: {  	s25 =	simm.s32 $0x1B8E;
	s24 =	sld [smem:$0x3FFE];
	[sflag:s23] =	ssyncadd.s32 $0xFFFFFFFF  }
0xa6: {  	s26 =	simm.s32 $execute0_lowered;
	[smem:$0x3FD2] =	sst s25  }
0xa7: {  	s6 =	sshll.u32 s26, $0x1;
	_ =	strace $0x80000046;
	[dreg:$0x1] =	wrdreg $0xFFFFFFFF  }
0xa8: {  	s28 =	simm.s32 $_size_execute0_lowered;
	s4 =	sadd.s32 s4, s6;
	[dreg:$0x0] =	wrdreg $0x0  }
0xa9: {  	s6 =	sshll.u32 s28, $0x1;
	[dreg:$0x2] =	wrdreg s4  }
0xaa: {  	[dreg:$0x3] =	wrdreg s6  }
0xab: {  	[dreg:$0x4] =	wrdreg $0xC0  }
0xac: {  	_ =	task [dreg:s8], $0x5FFFF  }
0xad: {  	[dreg:$0x1] =	wrdreg $0xFFFFFFFF  }
0xae: {  	[dreg:$0x0] =	wrdreg $0x60  }
0xaf: {  	[dreg:$0x2] =	wrdreg s2  }
0xb0: {  	[dreg:$0x3] =	wrdreg s24  }
0xb1: {  	[dreg:$0x4] =	wrdreg s18  }
0xb2: {  	[dreg:$0x5] =	wrdreg $0x9  }
0xb3: {  	_ =	task.clear_ibuf [dreg:s8], $0x6FFFF;
	_ =	strace $0x90000046  }
0xb4: {  	s29 =	simm.s32 $0x9;
	_ =	strace $0x80000048  }
0xb5: {  	_ =	swait.ge [sflag:s29], $0x1  }
0xb6: {  	[sflag:s29] =	ssyncadd.s32 $0xFFFFFFFF  }
0xb7: {  	_ =	strace $0x90000048  }
0xb8: {  	_ =	sfence  }
0xb9: {  	s30 =	sld [smem:$0x0];
	_ =	sdelay $0x2  }
0xba: {  	s31 =	sshll.u32 s1, $0xD;
	s1 =	sshrl.u32 s1, $0x2  }
0xbb: {  	s3 =	sand.u32 $0x4000, s31;
	s1 =	sadd.s32 s1, s30  }
0xbc: {  	s0 =	sor.u32 s3, s0;
	s1 =	sshll.u32 s1, $0x11  }
0xbd: {  	s0 =	sor.u32 s1, s0  }
0xbe: {  	s0 =	sadd.s32 $0x8F2B, s0  }
0xbf: {  	[sflag:s0] =	ssyncadd.remote.s32 $0x1  }
0xc0: {  	_ =	sfence.sel $0xFFFF  }
0xc1: {  	[dreg:$0x0] =	wrdreg $0xFFFFFFFF;
	(pc) =	sbr.abs _section_cstart, $3  }
0xc2: {  	[dreg:$0x1] =	wrdreg $0xFFFFFFFF  }
0xc3: {  	_ =	task.clear_ibuf [dreg:s8], $0x2FFFF;
	_ =	strace $0x9FFFFFFF  }
0xc4: {  	(tm) =	ssettm $0x7FFFFFFF  }
0xc5: {  	_ =	shalt  }
tec
execute0_lowered:
.L_overlay_start_1:
0x0: {  	(tag) =	ssettag $0x1  }
0x1: {  	s9 =	rddreg [dreg:$0x0]  }
0x2: {  	s3 =	rddreg [dreg:$0x1]  }
0x3: {  	s1 =	srdreg.scid;
	s0 =	stileid.u32  }
0x4: {  	s11 =	rddreg [dreg:$0x2];
	s14 =	simm.s32 $0x1;
	s15 =	simm.s32 $0xC000  }
0x5: {  	s16 =	simm.s32 $0x5;
	s4 =	sand.u32 $0x1, s1;
	s2 =	sshll.u32 s0, $0x1  }
0x6: {  	s18 =	simm.s32 $0x3;
	s19 =	simm.s32 $0x4;
	s17 =	sor.u32 s4, s2  }
0x7: {  	s20 =	simm.s32 $0x0;
	s1 =	rddreg [dreg:$0x3];
	s5 =	smul.u32 $0x1600, s17  }
0x8: {  	s3 =	sadd.s32 $0x400, s3;
	s2 =	simm.s32 $0x0;
	s7 =	smul.u32 $0xB000, s17  }
0x9: {  	s4 =	ssub.s32 $0x2, s4;
	[smem:$0x7FF] =	sst s2;
	s31 =	smul.u32 $0xC000, s17  }
0xa: {  	s6 =	sshrl.u32 s4, $0x1;
	s10 =	smul.u32 $0x1800, s17;
	p0 =	sgt.u32 s17, $0x16  }
0xb: {  	p1 =	sne.s32 s17, $0x5;
	p2 =	sne.s32 s17, $0x15;
	s17 =	simm.s32 $0x2  }
0xc: {  	_ =	strace $0x80000047;
	s12 =	ssub.s32 s4, s6;
	s29 =	sadd.s32 $0x2E00, s5  }
.Ltmp0:
0xd: {  	s30 =	sshrl.u32 s7, $0x3;
	s13 =	sshrl.u32 s31, $0x3;
	(pc) =	sbr.rel .LBB2_1-.Ltmp0, $4  }
0xe: {  	s12 =	smax.u32 s12, $0x1;
	s4 =	sadd.s32 s9, s29;
	s8 =	sadd.s32 $0x3A00, s30  }
0xf: {  	s6 =	sadd.s32 s11, s29;
	s13 =	sadd.s32 $0xC00, s13;
	s5 =	sadd.s32 s9, s8  }
0x10: {  	s7 =	sadd.s32 s11, s8;
	s8 =	sadd.s32 s9, s10;
	s9 =	sadd.s32 s9, s13  }
0x11: {  	s10 =	sadd.s32 s11, s10;
	s11 =	sadd.s32 s11, s13;
	s13 =	simm.s32 $0x6000  }
.LBB2_11:
0x12: {  	[tilespmem:s2], [sflag:$0x1] =	stream.linear.gather [hbm4b:s4+s2], $0x6000, $0x38;
	[tilespmem:$0xC080] =	vst v63  }
0x13: {  	_ = 	snop  }
0x14: {  	[tilespmem:s13], [sflag:$0x2] =	stream.linear.gather [hbm4b:s5+s2], $0x5000, $0x38;
	[tilespmem:$0xC080] =	vst v63  }
0x15: {  	_ =	swait.ge [sflag:s14], $0x6000  }
0x16: {  	[sflag:s14] =	ssyncset.done $0x0  }
0x17: {  	[sflag:s14] =	ssyncadd.s32 $0xFFFFA000  }
0x18: {  	[hbm4b:s6+s2] =	stream.linear.scatter [tilespmem:s2], [sflag:$0x3], $0x6000, $0x38;
	[tilespmem:$0xC080] =	vst v63  }
0x19: {  	_ =	swait.ge [sflag:s17], $0x5000  }
0x1a: {  	[sflag:s17] =	ssyncset.done $0x0  }
0x1b: {  	[sflag:s17] =	ssyncadd.s32 $0xFFFFB000  }
0x1c: {  	[hbm4b:s7+s2] =	stream.linear.scatter [tilespmem:s13], [sflag:$0x4], $0x5000, $0x38;
	[tilespmem:$0xC080] =	vst v63  }
0x1d: {  	_ =	swait.ge [sflag:s18], $0x6000  }
0x1e: {  	[sflag:s18] =	ssyncset.done $0x0  }
0x1f: {  	[sflag:s18] =	ssyncadd.s32 $0xFFFFA000  }
0x20: {  	_ =	swait.ge [sflag:s19], $0x5000  }
0x21: {  	[sflag:s19] =	ssyncset.done $0x0  }
0x22: {  	[sflag:s19] =	ssyncadd.s32 $0xFFFFB000  }
.LBB2_12:
0x23: {  	s20 =	sadd.s32 $0x1, s20  }
0x24: {  	p3 =	sne.s32 s20, s12  }
.Ltmp1:
0x25: {  	_ = 	snop;
	(pc) =	sbr.rel @!p3 .LBB2_13-.Ltmp1, $1  }
0x26: {  	_ =	sdelay $0x3  }
.LBB2_1:
.Ltmp2:
0x27: {  	(pc) =	sbr.rel @p0 .LBB2_11-.Ltmp2, $1  }
0x28: {  	_ =	sdelay $0x3  }
0x29: {  	[tilespmem:s2], [sflag:$0x1] =	stream.linear.gather [hbm4b:s8+s2], $0x6000, $0x38;
	[tilespmem:$0xC080] =	vst v63  }
.Ltmp3:
0x2a: {  	_ = 	snop;
	(pc) =	sbr.rel @p1 .LBB2_6-.Ltmp3, $4  }
0x2b: {  	[tilespmem:s13], [sflag:$0x2] =	stream.linear.gather [hbm4b:s9+s2], $0x6000, $0x38;
	[tilespmem:$0xC080] =	vst v63  }
0x2c: {  	_ =	swait.ge [sflag:s14], $0x6000  }
0x2d: {  	[sflag:s14] =	ssyncset.done $0x0  }
0x2e: {  	[sflag:s14] =	ssyncadd.s32 $0xFFFFA000  }
0x2f: {  	[tilespmem:s15], [sflag:$0x5] =	stream.linear.gather [hbm4b:s3+s2], $0x80, $0x38;
	[tilespmem:$0xC080] =	vst v63  }
0x30: {  	_ =	swait.ge [sflag:s16], $0x80  }
0x31: {  	s21 =	simm.s32 $0x800;
	s22 =	simm.s32 $0x200;
	[sflag:s16] =	ssyncset.done $0x0  }
0x32: {  	s21 =	sand.u32 $0x1000, s21;
	s22 =	sand.u32 $0x380, s22;
	[sflag:s16] =	ssyncadd.s32 $0xFFFFFF80  }
0x33: {  	s21 =	sor.u32 s22, s21;
	v0 =	vld [tilespmem:$0xC000]  }
0x34: {  	v1 =	vld [tilespmem:s21+$0x0]  }
0x35: {  	v2 =	vld [tilespmem:s21+$0x10]  }
0x36: {  	v3 =	vld [tilespmem:s21+$0x20]  }
0x37: {  	v4 =	vld [tilespmem:s21+$0x30]  }
0x38: {  	v5 =	vld [tilespmem:s21+$0x40]  }
0x39: {  	v6 =	vld [tilespmem:s21+$0x50];
	v1 =	vmul.f32 v1, v0  }
0x3a: {  	v7 =	vld [tilespmem:s21+$0x60];
	v2 =	vmul.f32 v2, v0  }
0x3b: {  	[tilespmem:s21+$0x0] =	vst v1;
	v1 =	vmul.f32 v3, v0;
	v3 =	vld [tilespmem:s21+$0x70]  }
0x3c: {  	[tilespmem:s21+$0x10] =	vst v2;
	v2 =	vmul.f32 v4, v0;
	v4 =	vld [tilespmem:s21+$0x400]  }
0x3d: {  	[tilespmem:s21+$0x20] =	vst v1;
	v1 =	vmul.f32 v5, v0;
	v5 =	vld [tilespmem:s21+$0x410]  }
0x3e: {  	[tilespmem:s21+$0x30] =	vst v2;
	v2 =	vmul.f32 v6, v0;
	v6 =	vld [tilespmem:s21+$0x420]  }
0x3f: {  	[tilespmem:s21+$0x40] =	vst v1;
	v1 =	vmul.f32 v7, v0;
	v7 =	vld [tilespmem:s21+$0x430]  }
0x40: {  	[tilespmem:s21+$0x50] =	vst v2;
	v2 =	vmul.f32 v3, v0;
	v3 =	vld [tilespmem:s21+$0x440]  }
0x41: {  	[tilespmem:s21+$0x60] =	vst v1;
	v1 =	vmul.f32 v4, v0;
	v4 =	vld [tilespmem:s21+$0x450]  }
0x42: {  	[tilespmem:s21+$0x70] =	vst v2;
	v2 =	vmul.f32 v5, v0;
	v5 =	vld [tilespmem:s21+$0x460]  }
0x43: {  	[tilespmem:s21+$0x400] =	vst v1;
	v1 =	vmul.f32 v6, v0;
	v6 =	vld [tilespmem:s21+$0x470]  }
0x44: {  	[tilespmem:s21+$0x410] =	vst v2;
	v2 =	vmul.f32 v7, v0;
	v7 =	vld [tilespmem:s21+$0x800]  }
0x45: {  	[tilespmem:s21+$0x420] =	vst v1;
	v1 =	vmul.f32 v3, v0;
	v3 =	vld [tilespmem:s21+$0x810]  }
0x46: {  	[tilespmem:s21+$0x430] =	vst v2;
	v2 =	vmul.f32 v4, v0;
	v4 =	vld [tilespmem:s21+$0x820]  }
0x47: {  	[tilespmem:s21+$0x440] =	vst v1;
	v1 =	vmul.f32 v5, v0;
	v5 =	vld [tilespmem:s21+$0x830]  }
0x48: {  	[tilespmem:s21+$0x450] =	vst v2;
	v2 =	vmul.f32 v6, v0;
	v6 =	vld [tilespmem:s21+$0x840]  }
0x49: {  	[tilespmem:s21+$0x460] =	vst v1;
	v1 =	vmul.f32 v7, v0;
	v7 =	vld [tilespmem:s21+$0x850]  }
0x4a: {  	v8 =	vld [tilespmem:s21+$0x860];
	[tilespmem:s21+$0x470] =	vst v2;
	v2 =	vmul.f32 v3, v0  }
0x4b: {  	v9 =	vld [tilespmem:s21+$0x870];
	[tilespmem:s21+$0x800] =	vst v1;
	v1 =	vmul.f32 v4, v0  }
0x4c: {  	[tilespmem:s21+$0x810] =	vst v2;
	v2 =	vmul.f32 v5, v0;
	v5 =	vld [tilespmem:s21+$0xC00]  }
0x4d: {  	v4 =	vld [tilespmem:s21+$0xC10];
	[tilespmem:s21+$0x820] =	vst v1;
	v1 =	vmul.f32 v6, v0  }
0x4e: {  	v3 =	vld [tilespmem:s21+$0xC20];
	[tilespmem:s21+$0x830] =	vst v2;
	v2 =	vmul.f32 v7, v0  }
0x4f: {  	v6 =	vmul.f32 v8, v0;
	[tilespmem:s21+$0x840] =	vst v1;
	v1 =	vld [tilespmem:s21+$0xC30]  }
0x50: {  	v7 =	vmul.f32 v9, v0;
	[tilespmem:s21+$0x850] =	vst v2;
	v2 =	vld [tilespmem:s21+$0xC40]  }
0x51: {  	s23 =	simm.s32 $0xA00;
	s22 =	simm.s32 $0x280;
	[tilespmem:s21+$0x860] =	vst v6;
	v6 =	vmul.f32 v5, v0;
	v5 =	vld [tilespmem:s21+$0xC50]  }
.LBB2_4:
0x52: {  	s24 =	sand.u32 $0x1000, s23;
	s25 =	sand.u32 $0x380, s22;
	p3 =	sne.s32 s23, $0x1A00;
	[tilespmem:s21+$0x870] =	vst v7;
	v4 =	vmul.f32 v4, v0;
	v7 =	vld [tilespmem:s21+$0xC60]  }
0x53: {  	s24 =	sor.u32 s25, s24;
	[tilespmem:s21+$0xC00] =	vst v6;
	v3 =	vmul.f32 v3, v0;
	v6 =	vld [tilespmem:s21+$0xC70]  }
0x54: {  	v8 =	vld [tilespmem:s24+$0x0];
	[tilespmem:s21+$0xC10] =	vst v4;
	v1 =	vmul.f32 v1, v0  }
0x55: {  	v4 =	vld [tilespmem:s24+$0x10];
	[tilespmem:s21+$0xC20] =	vst v3;
	v2 =	vmul.f32 v2, v0  }
0x56: {  	v3 =	vld [tilespmem:s24+$0x20];
	[tilespmem:s21+$0xC30] =	vst v1;
	v1 =	vmul.f32 v5, v0  }
0x57: {  	v5 =	vld [tilespmem:s24+$0x30];
	[tilespmem:s21+$0xC40] =	vst v2;
	v2 =	vmul.f32 v7, v0  }
0x58: {  	v7 =	vld [tilespmem:s24+$0x40];
	[tilespmem:s21+$0xC50] =	vst v1;
	v1 =	vmul.f32 v6, v0  }
0x59: {  	v6 =	vmul.f32 v8, v0;
	v8 =	vld [tilespmem:s24+$0x50];
	[tilespmem:s21+$0xC60] =	vst v2  }
0x5a: {  	v2 =	vmul.f32 v4, v0;
	v4 =	vld [tilespmem:s24+$0x60];
	[tilespmem:s21+$0xC70] =	vst v1;
	s21 =	smov.u32 s24  }
0x5b: {  	[tilespmem:s21+$0x0] =	vst v6;
	v1 =	vmul.f32 v3, v0;
	v3 =	vld [tilespmem:s21+$0x70]  }
0x5c: {  	[tilespmem:s21+$0x10] =	vst v2;
	v2 =	vmul.f32 v5, v0;
	v5 =	vld [tilespmem:s21+$0x400]  }
0x5d: {  	[tilespmem:s21+$0x20] =	vst v1;
	v1 =	vmul.f32 v7, v0;
	v6 =	vld [tilespmem:s21+$0x410]  }
0x5e: {  	[tilespmem:s21+$0x30] =	vst v2;
	v2 =	vmul.f32 v8, v0;
	v7 =	vld [tilespmem:s21+$0x420]  }
0x5f: {  	[tilespmem:s21+$0x40] =	vst v1;
	v1 =	vmul.f32 v4, v0;
	v4 =	vld [tilespmem:s21+$0x430]  }
0x60: {  	[tilespmem:s21+$0x50] =	vst v2;
	v2 =	vmul.f32 v3, v0;
	v3 =	vld [tilespmem:s21+$0x440]  }
0x61: {  	[tilespmem:s21+$0x60] =	vst v1;
	v1 =	vmul.f32 v5, v0;
	v5 =	vld [tilespmem:s21+$0x450]  }
0x62: {  	[tilespmem:s21+$0x70] =	vst v2;
	v2 =	vmul.f32 v6, v0;
	v6 =	vld [tilespmem:s21+$0x460]  }
0x63: {  	[tilespmem:s21+$0x400] =	vst v1;
	v1 =	vmul.f32 v7, v0;
	v7 =	vld [tilespmem:s21+$0x470]  }
0x64: {  	[tilespmem:s21+$0x410] =	vst v2;
	v2 =	vmul.f32 v4, v0;
	v4 =	vld [tilespmem:s21+$0x800]  }
0x65: {  	[tilespmem:s21+$0x420] =	vst v1;
	v1 =	vmul.f32 v3, v0;
	v3 =	vld [tilespmem:s21+$0x810]  }
0x66: {  	[tilespmem:s21+$0x430] =	vst v2;
	v2 =	vmul.f32 v5, v0;
	v5 =	vld [tilespmem:s21+$0x820]  }
0x67: {  	[tilespmem:s21+$0x440] =	vst v1;
	v1 =	vmul.f32 v6, v0;
	v6 =	vld [tilespmem:s21+$0x830]  }
0x68: {  	[tilespmem:s21+$0x450] =	vst v2;
	v2 =	vmul.f32 v7, v0;
	v7 =	vld [tilespmem:s21+$0x840]  }
0x69: {  	[tilespmem:s21+$0x460] =	vst v1;
	v1 =	vmul.f32 v4, v0;
	v8 =	vld [tilespmem:s21+$0x850]  }
0x6a: {  	[tilespmem:s21+$0x470] =	vst v2;
	v2 =	vmul.f32 v3, v0;
	v9 =	vld [tilespmem:s21+$0x860]  }
0x6b: {  	[tilespmem:s21+$0x800] =	vst v1;
	v1 =	vmul.f32 v5, v0;
	v5 =	vld [tilespmem:s21+$0x870]  }
0x6c: {  	[tilespmem:s21+$0x810] =	vst v2;
	v2 =	vmul.f32 v6, v0;
	v6 =	vld [tilespmem:s21+$0xC00]  }
.Ltmp4:
0x6d: {  	[tilespmem:s21+$0x820] =	vst v1;
	v1 =	vmul.f32 v7, v0;
	v4 =	vld [tilespmem:s21+$0xC10];
	(pc) =	sbr.rel @p3 .LBB2_4-.Ltmp4, $4  }
0x6e: {  	[tilespmem:s21+$0x830] =	vst v2;
	v2 =	vmul.f32 v8, v0;
	v3 =	vld [tilespmem:s21+$0xC20]  }
0x6f: {  	[tilespmem:s21+$0x840] =	vst v1;
	v8 =	vmul.f32 v9, v0;
	v1 =	vld [tilespmem:s21+$0xC30]  }
0x70: {  	[tilespmem:s21+$0x850] =	vst v2;
	v7 =	vmul.f32 v5, v0;
	v2 =	vld [tilespmem:s21+$0xC40]  }
0x71: {  	s22 =	sadd.s32 $0x80, s22;
	s23 =	sadd.s32 $0x200, s23;
	[tilespmem:s21+$0x860] =	vst v8;
	v6 =	vmul.f32 v6, v0;
	v5 =	vld [tilespmem:s21+$0xC50]  }
0x72: {  	[tilespmem:s21+$0x870] =	vst v7;
	v4 =	vmul.f32 v4, v0;
	v59 =	vld [tilespmem:s21+$0xC60]  }
0x73: {  	v60 =	vld [tilespmem:s21+$0xC70];
	[tilespmem:s21+$0xC00] =	vst v6;
	v3 =	vmul.f32 v3, v0  }
0x74: {  	[tilespmem:s21+$0xC10] =	vst v4;
	v1 =	vmul.f32 v1, v0  }
0x75: {  	[tilespmem:s21+$0xC20] =	vst v3;
	v2 =	vmul.f32 v2, v0  }
0x76: {  	[tilespmem:s21+$0xC30] =	vst v1;
	v61 =	vmul.f32 v5, v0  }
0x77: {  	[tilespmem:s21+$0xC40] =	vst v2;
	v62 =	vmul.f32 v59, v0  }
0x78: {  	v63 =	vmul.f32 v60, v0;
	[tilespmem:s21+$0xC50] =	vst v61  }
0x79: {  	[tilespmem:s21+$0xC60] =	vst v62  }
0x7a: {  	[tilespmem:s21+$0xC70] =	vst v63  }
.LBB2_6:
.Ltmp5:
0x7b: {  	(pc) =	sbr.rel @p2 .LBB2_10-.Ltmp5, $4  }
0x7c: {  	[hbm4b:s10+s2] =	stream.linear.scatter [tilespmem:s2], [sflag:$0x3], $0x6000, $0x38;
	[tilespmem:$0xC080] =	vst v63  }
0x7d: {  	_ =	swait.ge [sflag:s17], $0x6000  }
0x7e: {  	[sflag:s17] =	ssyncset.done $0x0  }
0x7f: {  	[sflag:s17] =	ssyncadd.s32 $0xFFFFA000  }
0x80: {  	[tilespmem:s15], [sflag:$0x5] =	stream.linear.gather [hbm4b:s3+s2], $0x80, $0x38;
	[tilespmem:$0xC080] =	vst v63  }
0x81: {  	_ =	swait.ge [sflag:s16], $0x80  }
0x82: {  	s21 =	simm.s32 $0x200;
	s22 =	simm.s32 $0x80;
	[sflag:s16] =	ssyncset.done $0x0  }
0x83: {  	s21 =	sand.u32 $0x3000, s21;
	s22 =	sand.u32 $0x380, s22;
	[sflag:s16] =	ssyncadd.s32 $0xFFFFFF80  }
0x84: {  	s21 =	sor.u32 s22, s21;
	v0 =	vld [tilespmem:$0xC000]  }
0x85: {  	v1 =	vld [tilespmem:s21+$0x6000]  }
0x86: {  	v2 =	vld [tilespmem:s21+$0x6010]  }
0x87: {  	v3 =	vld [tilespmem:s21+$0x6020]  }
0x88: {  	v4 =	vld [tilespmem:s21+$0x6030]  }
0x89: {  	v6 =	vld [tilespmem:s21+$0x6060]  }
0x8a: {  	v5 =	vld [tilespmem:s21+$0x6040];
	v1 =	vmul.f32 v1, v0  }
0x8b: {  	v7 =	vld [tilespmem:s21+$0x6070];
	v2 =	vmul.f32 v2, v0  }
0x8c: {  	v3 =	vmul.f32 v3, v0;
	[tilespmem:s21+$0x6000] =	vst v1;
	v1 =	vld [tilespmem:s21+$0x6050]  }
0x8d: {  	v4 =	vmul.f32 v4, v0;
	[tilespmem:s21+$0x6010] =	vst v2;
	v2 =	vld [tilespmem:s21+$0x6400]  }
0x8e: {  	v6 =	vmul.f32 v6, v0;
	[tilespmem:s21+$0x6020] =	vst v3;
	v3 =	vld [tilespmem:s21+$0x6410]  }
0x8f: {  	[tilespmem:s21+$0x6030] =	vst v4;
	v4 =	vld [tilespmem:s21+$0x6420]  }
0x90: {  	v5 =	vmul.f32 v5, v0;
	[tilespmem:s21+$0x6060] =	vst v6;
	v6 =	vld [tilespmem:s21+$0x6450]  }
0x91: {  	v1 =	vmul.f32 v1, v0  }
0x92: {  	[tilespmem:s21+$0x6040] =	vst v5;
	v5 =	vld [tilespmem:s21+$0x6430];
	v2 =	vmul.f32 v2, v0  }
0x93: {  	v7 =	vmul.f32 v7, v0;
	[tilespmem:s21+$0x6050] =	vst v1;
	v1 =	vld [tilespmem:s21+$0x6440]  }
0x94: {  	v3 =	vmul.f32 v3, v0;
	[tilespmem:s21+$0x6400] =	vst v2;
	v2 =	vmul.f32 v4, v0;
	v4 =	vld [tilespmem:s21+$0x6460]  }
0x95: {  	[tilespmem:s21+$0x6070] =	vst v7;
	v7 =	vld [tilespmem:s21+$0x6470];
	v6 =	vmul.f32 v6, v0  }
0x96: {  	[tilespmem:s21+$0x6410] =	vst v3;
	v3 =	vld [tilespmem:s21+$0x6800]  }
0x97: {  	v5 =	vmul.f32 v5, v0;
	[tilespmem:s21+$0x6450] =	vst v6;
	v6 =	vld [tilespmem:s21+$0x6840]  }
0x98: {  	[tilespmem:s21+$0x6420] =	vst v2;
	v2 =	vld [tilespmem:s21+$0x6810];
	v1 =	vmul.f32 v1, v0  }
0x99: {  	[tilespmem:s21+$0x6430] =	vst v5;
	v5 =	vld [tilespmem:s21+$0x6820];
	v4 =	vmul.f32 v4, v0  }
0x9a: {  	v7 =	vmul.f32 v7, v0;
	[tilespmem:s21+$0x6440] =	vst v1;
	v1 =	vld [tilespmem:s21+$0x6830]  }
0x9b: {  	v3 =	vmul.f32 v3, v0;
	[tilespmem:s21+$0x6460] =	vst v4;
	v4 =	vld [tilespmem:s21+$0x6850]  }
0x9c: {  	[tilespmem:s21+$0x6470] =	vst v7;
	v7 =	vld [tilespmem:s21+$0x6860];
	v6 =	vmul.f32 v6, v0  }
0x9d: {  	v8 =	vld [tilespmem:s21+$0x6870];
	v2 =	vmul.f32 v2, v0;
	[tilespmem:s21+$0x6800] =	vst v3  }
0x9e: {  	v3 =	vmul.f32 v5, v0;
	v5 =	vld [tilespmem:s21+$0x6C00];
	[tilespmem:s21+$0x6840] =	vst v6  }
0x9f: {  	[tilespmem:s21+$0x6810] =	vst v2;
	v2 =	vld [tilespmem:s21+$0x6C10];
	v1 =	vmul.f32 v1, v0  }
0xa0: {  	[tilespmem:s21+$0x6820] =	vst v3;
	v3 =	vld [tilespmem:s21+$0x6C20];
	v4 =	vmul.f32 v4, v0  }
0xa1: {  	v6 =	vmul.f32 v7, v0;
	[tilespmem:s21+$0x6830] =	vst v1;
	v1 =	vld [tilespmem:s21+$0x6C30]  }
0xa2: {  	v7 =	vmul.f32 v8, v0;
	[tilespmem:s21+$0x6850] =	vst v4;
	v4 =	vld [tilespmem:s21+$0x6C40]  }
0xa3: {  	s23 =	simm.s32 $0x400;
	s22 =	simm.s32 $0x100;
	[tilespmem:s21+$0x6860] =	vst v6;
	v6 =	vmul.f32 v5, v0;
	v5 =	vld [tilespmem:s21+$0x6C50]  }
.LBB2_8:
0xa4: {  	s24 =	sand.u32 $0x3000, s23;
	s25 =	sand.u32 $0x380, s22;
	p3 =	sne.s32 s23, $0x2800;
	[tilespmem:s21+$0x6870] =	vst v7;
	v2 =	vmul.f32 v2, v0;
	v7 =	vld [tilespmem:s21+$0x6C60]  }
0xa5: {  	s24 =	sor.u32 s25, s24;
	[tilespmem:s21+$0x6C00] =	vst v6;
	v3 =	vmul.f32 v3, v0;
	v6 =	vld [tilespmem:s21+$0x6C70]  }
0xa6: {  	v8 =	vld [tilespmem:s24+$0x6000];
	[tilespmem:s21+$0x6C10] =	vst v2;
	v1 =	vmul.f32 v1, v0  }
0xa7: {  	v2 =	vld [tilespmem:s24+$0x6010];
	[tilespmem:s21+$0x6C20] =	vst v3;
	v3 =	vmul.f32 v4, v0  }
0xa8: {  	v4 =	vld [tilespmem:s24+$0x6020];
	[tilespmem:s21+$0x6C30] =	vst v1;
	v1 =	vmul.f32 v5, v0  }
0xa9: {  	v5 =	vld [tilespmem:s24+$0x6030];
	[tilespmem:s21+$0x6C40] =	vst v3;
	v3 =	vmul.f32 v7, v0  }
0xaa: {  	v7 =	vld [tilespmem:s24+$0x6040];
	[tilespmem:s21+$0x6C50] =	vst v1;
	v1 =	vmul.f32 v6, v0  }
0xab: {  	v6 =	vmul.f32 v8, v0;
	v8 =	vld [tilespmem:s24+$0x6050];
	[tilespmem:s21+$0x6C60] =	vst v3  }
0xac: {  	v2 =	vmul.f32 v2, v0;
	v3 =	vld [tilespmem:s24+$0x6060];
	[tilespmem:s21+$0x6C70] =	vst v1;
	s21 =	smov.u32 s24  }
0xad: {  	[tilespmem:s21+$0x6000] =	vst v6;
	v1 =	vmul.f32 v4, v0;
	v4 =	vld [tilespmem:s21+$0x6070]  }
0xae: {  	[tilespmem:s21+$0x6010] =	vst v2;
	v2 =	vmul.f32 v5, v0;
	v5 =	vld [tilespmem:s21+$0x6400]  }
0xaf: {  	[tilespmem:s21+$0x6020] =	vst v1;
	v1 =	vmul.f32 v7, v0;
	v6 =	vld [tilespmem:s21+$0x6410]  }
0xb0: {  	[tilespmem:s21+$0x6030] =	vst v2;
	v2 =	vmul.f32 v8, v0;
	v7 =	vld [tilespmem:s21+$0x6420]  }
0xb1: {  	[tilespmem:s21+$0x6040] =	vst v1;
	v1 =	vmul.f32 v3, v0;
	v3 =	vld [tilespmem:s21+$0x6430]  }
0xb2: {  	[tilespmem:s21+$0x6050] =	vst v2;
	v2 =	vmul.f32 v4, v0;
	v4 =	vld [tilespmem:s21+$0x6440]  }
0xb3: {  	[tilespmem:s21+$0x6060] =	vst v1;
	v1 =	vmul.f32 v5, v0;
	v5 =	vld [tilespmem:s21+$0x6450]  }
0xb4: {  	[tilespmem:s21+$0x6070] =	vst v2;
	v2 =	vmul.f32 v6, v0;
	v6 =	vld [tilespmem:s21+$0x6460]  }
0xb5: {  	[tilespmem:s21+$0x6400] =	vst v1;
	v1 =	vmul.f32 v7, v0;
	v7 =	vld [tilespmem:s21+$0x6470]  }
0xb6: {  	[tilespmem:s21+$0x6410] =	vst v2;
	v2 =	vmul.f32 v3, v0;
	v3 =	vld [tilespmem:s21+$0x6800]  }
0xb7: {  	[tilespmem:s21+$0x6420] =	vst v1;
	v1 =	vmul.f32 v4, v0;
	v4 =	vld [tilespmem:s21+$0x6810]  }
0xb8: {  	[tilespmem:s21+$0x6430] =	vst v2;
	v2 =	vmul.f32 v5, v0;
	v5 =	vld [tilespmem:s21+$0x6820]  }
0xb9: {  	[tilespmem:s21+$0x6440] =	vst v1;
	v1 =	vmul.f32 v6, v0;
	v6 =	vld [tilespmem:s21+$0x6830]  }
0xba: {  	[tilespmem:s21+$0x6450] =	vst v2;
	v2 =	vmul.f32 v7, v0;
	v7 =	vld [tilespmem:s21+$0x6840]  }
0xbb: {  	[tilespmem:s21+$0x6460] =	vst v1;
	v1 =	vmul.f32 v3, v0;
	v3 =	vld [tilespmem:s21+$0x6850]  }
0xbc: {  	[tilespmem:s21+$0x6470] =	vst v2;
	v2 =	vmul.f32 v4, v0;
	v4 =	vld [tilespmem:s21+$0x6860]  }
0xbd: {  	[tilespmem:s21+$0x6800] =	vst v1;
	v1 =	vmul.f32 v5, v0;
	v5 =	vld [tilespmem:s21+$0x6870]  }
0xbe: {  	[tilespmem:s21+$0x6810] =	vst v2;
	v6 =	vmul.f32 v6, v0;
	v8 =	vld [tilespmem:s21+$0x6C00]  }
.Ltmp6:
0xbf: {  	[tilespmem:s21+$0x6820] =	vst v1;
	v1 =	vmul.f32 v7, v0;
	v2 =	vld [tilespmem:s21+$0x6C10];
	(pc) =	sbr.rel @p3 .LBB2_8-.Ltmp6, $4  }
0xc0: {  	[tilespmem:s21+$0x6830] =	vst v6;
	v6 =	vmul.f32 v3, v0;
	v3 =	vld [tilespmem:s21+$0x6C20]  }
0xc1: {  	[tilespmem:s21+$0x6840] =	vst v1;
	v9 =	vmul.f32 v4, v0;
	v1 =	vld [tilespmem:s21+$0x6C30]  }
0xc2: {  	[tilespmem:s21+$0x6850] =	vst v6;
	v7 =	vmul.f32 v5, v0;
	v4 =	vld [tilespmem:s21+$0x6C40]  }
0xc3: {  	s22 =	sadd.s32 $0x80, s22;
	s23 =	sadd.s32 $0x200, s23;
	[tilespmem:s21+$0x6860] =	vst v9;
	v6 =	vmul.f32 v8, v0;
	v5 =	vld [tilespmem:s21+$0x6C50]  }
0xc4: {  	[tilespmem:s21+$0x6870] =	vst v7;
	v2 =	vmul.f32 v2, v0;
	v58 =	vld [tilespmem:s21+$0x6C60]  }
0xc5: {  	v59 =	vld [tilespmem:s21+$0x6C70];
	[tilespmem:s21+$0x6C00] =	vst v6;
	v3 =	vmul.f32 v3, v0  }
0xc6: {  	[tilespmem:s21+$0x6C10] =	vst v2;
	v1 =	vmul.f32 v1, v0  }
0xc7: {  	[tilespmem:s21+$0x6C20] =	vst v3;
	v60 =	vmul.f32 v4, v0  }
0xc8: {  	[tilespmem:s21+$0x6C30] =	vst v1;
	v61 =	vmul.f32 v5, v0  }
0xc9: {  	[tilespmem:s21+$0x6C40] =	vst v60;
	v62 =	vmul.f32 v58, v0  }
0xca: {  	v63 =	vmul.f32 v59, v0;
	[tilespmem:s21+$0x6C50] =	vst v61  }
0xcb: {  	[tilespmem:s21+$0x6C60] =	vst v62  }
0xcc: {  	[tilespmem:s21+$0x6C70] =	vst v63  }
.LBB2_10:
0xcd: {  	[hbm4b:s11+s2] =	stream.linear.scatter [tilespmem:s13], [sflag:$0x4], $0x6000, $0x38;
	[tilespmem:$0xC080] =	vst v63  }
0xce: {  	_ =	swait.ge [sflag:s18], $0x6000  }
.Ltmp7:
0xcf: {  	[sflag:s18] =	ssyncset.done $0x0;
	(pc) =	sbr.rel .LBB2_12-.Ltmp7, $4  }
0xd0: {  	[sflag:s18] =	ssyncadd.s32 $0xFFFFA000  }
0xd1: {  	_ =	swait.ge [sflag:s19], $0x6000  }
0xd2: {  	[sflag:s19] =	ssyncset.done $0x0  }
0xd3: {  	[sflag:s19] =	ssyncadd.s32 $0xFFFFA000  }
.LBB2_13:
0xd4: {  	_ =	sfence.sel $0x180000  }
0xd5: {  	[bflag:$0x0] =	sbarrier.arrive $0xFFFF  }
0xd6: {  	p0 =	sne.s32 s0, $0x0;
	_ =	strace $0x90000047  }
0xd7: {  	s0 =	sadd.s32 @!p0 $0x100000, s1;
	[bflag:$0x2] =	sbarrier.arrive $0xFFFF  }
0xd8: {  	[sflag:s0] =	ssyncadd.tile.s32 @!p0 $0x1;
	_ =	shalt  }
.Lfunc_end2:
_tile_overlayer_lowered:
.L_overlay_start_2:
0xd9: {  	(tag) =	ssettag $0x2  }
0xda: {  	s0 =	rddreg [dreg:$0x0];
	s2 =	stileid.u32  }
0xdb: {  	s1 =	rddreg [dreg:$0x1];
	p0 =	sne.s32 s2, $0x0  }
0xdc: {  	s3 =	rddreg [dreg:$0x2];
	[bflag:$0x3] =	sbarrier.arrive $0xFFFF;
	s2 =	simm.s32 @!p0 $0x1C05  }
0xdd: {  	[timem:s3], [sflag:s2] =	dma.local @!p0 [hbm:s0], s1  }
0xde: {  	s0 =	simm.s32 @!p0 $0x5  }
0xdf: {  	_ =	swait.ge @!p0 [sflag:s0], s1  }
0xe0: {  	s1 =	ssub.s32 @!p0 $0x0, s1;
	[sflag:s0] =	ssyncset.done @!p0 $0x0  }
0xe1: {  	[sflag:s0] =	ssyncadd.s32 @!p0 s1  }
0xe2: {  	[bflag:$0x3] =	sbarrier.arrive $0xFFFF  }
0xe3: {  	_ =	shalt  }

</sc_bundles>
